<compile_context>
chip_gen: v7x
topology: tpu7x:2x2x1
jax: 0.10.2.dev20260603
libtpu: 0.0.44.dev20260713+nightly
codegen_flags: <defaults>
</compile_context>

<pallas_src>
import functools

import jax
import jax.numpy as jnp
from jax import lax
from jax.experimental import pallas as pl
from jax.experimental.pallas import tpu as pltpu
from jax.experimental.pallas import tpu_sc as plsc

_EPS = 1e-5
_B = 16384
_N = 1000000
_EMB = 64

_NC = 2
_NS = 16
_NW = _NC * _NS
_BPW = _B // _NW

_W = 12288
_RGRID = (_N + _W - 1) // _W


def _repack_body(a_ref, b_ref, out_ref):
    eye = jnp.eye(_EMB, dtype=jnp.float32)
    at = lax.dot_general(a_ref[...], eye, (((0,), (0,)), ((), ())),
                         preferred_element_type=jnp.float32)
    bt = lax.dot_general(b_ref[...], eye, (((0,), (0,)), ((), ())),
                         preferred_element_type=jnp.float32)
    c = jnp.concatenate([at, bt], axis=1).astype(jnp.bfloat16)
    out_ref[...] = pltpu.bitcast(c, jnp.uint32)


@functools.cache
def _make_repack(interpret=False):
    return pl.pallas_call(
        _repack_body,
        grid=(_RGRID,),
        in_specs=[
            pl.BlockSpec((_EMB, _W), lambda i: (0, i)),
            pl.BlockSpec((_EMB, _W), lambda i: (0, i)),
        ],
        out_specs=pl.BlockSpec((_W // 2, 128), lambda i: (i, 0)),
        out_shape=jax.ShapeDtypeStruct((_N // 2, 128), jnp.uint32),
        compiler_params=pltpu.CompilerParams(
            dimension_semantics=("parallel",),
        ),
        interpret=interpret,
    )


def _gather_body(idx_hbm, tbl_hbm, out, idx_v, buf_a, buf_b, sem_a, sem_b):
    wid = lax.axis_index("s") * _NC + lax.axis_index("c")
    base = wid * _BPW
    half = _BPW // 2
    pltpu.sync_copy(idx_hbm.at[pl.ds(base, _BPW)], idx_v)
    cp_a = pltpu.async_copy(tbl_hbm.at[idx_v.at[pl.ds(0, half)]], buf_a, sem_a)
    cp_b = pltpu.async_copy(tbl_hbm.at[idx_v.at[pl.ds(half, half)]], buf_b,
                            sem_b)
    cp_a.wait()
    pltpu.sync_copy(buf_a, out.at[pl.ds(base, half)])
    cp_b.wait()
    pltpu.sync_copy(buf_b, out.at[pl.ds(base + half, half)])


@functools.cache
def _make_gather():
    mesh = plsc.VectorSubcoreMesh(
        core_axis_name="c", subcore_axis_name="s",
        num_cores=_NC, num_subcores=_NS)
    half = _BPW // 2
    return pl.kernel(
        _gather_body,
        out_type=jax.ShapeDtypeStruct((_B, 128), jnp.uint32),
        mesh=mesh,
        scratch_types=[
            pltpu.VMEM((_BPW,), jnp.int32),
            pltpu.VMEM((half, 128), jnp.uint32),
            pltpu.VMEM((half, 128), jnp.uint32),
            pltpu.SemaphoreType.DMA,
            pltpu.SemaphoreType.DMA,
        ],
        compiler_params=pltpu.CompilerParams(use_tc_tiling_on_sc=True),
    )


_BB = 2048


def _unpack_rows(packed, parity_col):
    lo = lax.bitcast_convert_type(packed << 16, jnp.float32)
    hi = lax.bitcast_convert_type(packed & jnp.uint32(0xFFFF0000),
                                  jnp.float32)
    return jnp.where(parity_col == 1, hi, lo)


def _mlp_body(u_ref, i_ref, up_ref, ip_ref,
              w1, b1, g1, be1, w2, b2, g2, be2, wf, bf, out):
    inv_std = 1.0 / jnp.sqrt(1.0 + _EPS)
    u = _unpack_rows(u_ref[...], up_ref[...])
    i = _unpack_rows(i_ref[...], ip_ref[...])
    x = jnp.concatenate([u[:, _EMB:], i[:, _EMB:]], axis=1)
    h = lax.dot_general(x, w1[...], (((1,), (1,)), ((), ())),
                        preferred_element_type=jnp.float32)
    h = (h + b1[...]) * inv_std * g1[...] + be1[...]
    h = jnp.maximum(h, 0.0)
    h = lax.dot_general(h, w2[...], (((1,), (1,)), ((), ())),
                        preferred_element_type=jnp.float32)
    h = (h + b2[...]) * inv_std * g2[...] + be2[...]
    h = jnp.maximum(h, 0.0)
    gmf = u[:, :_EMB] * i[:, :_EMB]
    c = jnp.concatenate([gmf, h], axis=1)
    logit = jnp.sum(c * wf[...], axis=1, keepdims=True) + bf[0, 0]
    out[...] = 1.0 / (1.0 + jnp.exp(-logit))


@functools.cache
def _make_mlp(interpret=False):
    def whole(shape):
        return pl.BlockSpec(shape, lambda i: (0, 0))

    return pl.pallas_call(
        _mlp_body,
        grid=(_B // _BB,),
        in_specs=[
            pl.BlockSpec((_BB, 128), lambda i: (i, 0)),
            pl.BlockSpec((_BB, 128), lambda i: (i, 0)),
            pl.BlockSpec((_BB, 1), lambda i: (i, 0)),
            pl.BlockSpec((_BB, 1), lambda i: (i, 0)),
            whole((128, 128)),
            whole((1, 128)),
            whole((1, 128)),
            whole((1, 128)),
            whole((64, 128)),
            whole((1, 64)),
            whole((1, 64)),
            whole((1, 64)),
            whole((1, 128)),
            whole((1, 1)),
        ],
        out_specs=pl.BlockSpec((_BB, 1), lambda i: (i, 0)),
        out_shape=jax.ShapeDtypeStruct((_B, 1), jnp.float32),
        compiler_params=pltpu.CompilerParams(
            dimension_semantics=("arbitrary",),
        ),
        interpret=interpret,
    )


def kernel(user_ids, item_ids, U_mf, I_mf, U_mlp, I_mlp,
           W1, b1, g1, be1, W2, b2, g2, be2, Wf, bf):
    uid = user_ids.astype(jnp.int32)
    iid = item_ids.astype(jnp.int32)
    repack = _make_repack()
    ut = repack(U_mf.T, U_mlp.T)
    it = repack(I_mf.T, I_mlp.T)
    g = _make_gather()
    urows = g(uid // 2, ut)
    irows = g(iid // 2, it)
    return _make_mlp()(
        urows, irows,
        (uid % 2).astype(jnp.uint32).reshape(_B, 1),
        (iid % 2).astype(jnp.uint32).reshape(_B, 1),
        W1, b1.reshape(1, 128), g1.reshape(1, 128), be1.reshape(1, 128),
        W2, b2.reshape(1, 64), g2.reshape(1, 64), be2.reshape(1, 64),
        Wf, bf.reshape(1, 1),
    )

# --- scband reference (transcript-rebuilt; emitter-appended) ---
"""Pipeline reference for scband-ncf-35673998360677 (READ-ONLY COPY).

The authoritative reference and input builder live on the scoring server;
editing this copy changes nothing except your own understanding.
"""

import jax, jax.numpy as jnp
import numpy as np

NUM_USERS = 1000000
NUM_ITEMS = 1000000
EMB = 64
B = 16384
EPS = 1e-5


def setup_inputs(seed: int = 0) -> dict:
    key = jax.random.key(seed)
    ks = jax.random.split(key, 12)
    inp = {}
    inp["user_ids"] = jax.random.randint(ks[0], (B,), 0, NUM_USERS, dtype=jnp.int64 if jax.config.jax_enable_x64 else jnp.int32)
    inp["item_ids"] = jax.random.randint(ks[1], (B,), 0, NUM_ITEMS, dtype=jnp.int64 if jax.config.jax_enable_x64 else jnp.int32)
    inp["U_mf"] = jax.random.normal(ks[2], (NUM_USERS, EMB), dtype=jnp.float32) * 0.02
    inp["I_mf"] = jax.random.normal(ks[3], (NUM_ITEMS, EMB), dtype=jnp.float32) * 0.02
    inp["U_mlp"] = jax.random.normal(ks[4], (NUM_USERS, EMB), dtype=jnp.float32) * 0.02
    inp["I_mlp"] = jax.random.normal(ks[5], (NUM_ITEMS, EMB), dtype=jnp.float32) * 0.02
    # MLP layer 1: in=128 -> 128
    inp["W1"] = jax.random.normal(ks[6], (128, 128), dtype=jnp.float32) * (1.0 / np.sqrt(128.0))
    inp["b1"] = jnp.zeros((128,), dtype=jnp.float32)
    inp["g1"] = jnp.ones((128,), dtype=jnp.float32)
    inp["be1"] = jnp.zeros((128,), dtype=jnp.float32)
    # MLP layer 2: in=128 -> 64
    inp["W2"] = jax.random.normal(ks[7], (64, 128), dtype=jnp.float32) * (1.0 / np.sqrt(128.0))
    inp["b2"] = jnp.zeros((64,), dtype=jnp.float32)
    inp["g2"] = jnp.ones((64,), dtype=jnp.float32)
    inp["be2"] = jnp.zeros((64,), dtype=jnp.float32)
    # Final layer: in = EMB + 64 = 128 -> 1
    inp["Wf"] = jax.random.normal(ks[8], (1, 128), dtype=jnp.float32) * (1.0 / np.sqrt(128.0))
    inp["bf"] = jnp.zeros((1,), dtype=jnp.float32)
    return inp


def reference(user_ids, item_ids, U_mf, I_mf, U_mlp, I_mlp, W1, b1, g1, be1, W2, b2, g2, be2, Wf, bf):
    # Eval-mode: dropout = identity; BatchNorm1d uses running stats (mean=0, var=1 at init).
    ug = jnp.take(U_mf, user_ids, axis=0)
    ig = jnp.take(I_mf, item_ids, axis=0)
    gmf = ug * ig
    um = jnp.take(U_mlp, user_ids, axis=0)
    im = jnp.take(I_mlp, item_ids, axis=0)
    x = jnp.concatenate([um, im], axis=1)
    inv_std = 1.0 / jnp.sqrt(1.0 + EPS)
    h = x @ W1.T + b1
    h = h * inv_std * g1 + be1
    h = jnp.maximum(h, 0.0)
    h = h @ W2.T + b2
    h = h * inv_std * g2 + be2
    h = jnp.maximum(h, 0.0)
    c = jnp.concatenate([gmf, h], axis=1)
    preds = jax.nn.sigmoid(c @ Wf.T + bf)
    return preds

if __name__ == "__main__":
    import jax
    _d = setup_inputs()
    print(jax.jit(kernel)(*tuple(_d.values())))

</pallas_src>

<mosaic_0001>
#map = affine_map<(d0, d1) -> (0)>
#map1 = affine_map<(d0, d1) -> (0, 0)>
module attributes {stable_mosaic.version = 14 : i64} {
  func.func @_gather_body(%arg0: i32, %arg1: i32, %arg2: memref<16384xi32, #tpu.memory_space<hbm>>, %arg3: memref<500000x128xi32, #tpu.memory_space<hbm>>, %arg4: memref<16384x128xi32, #tpu.memory_space<hbm>>, %arg5: memref<512xi32, #tpu.memory_space<vmem>>, %arg6: memref<256x128xi32, #tpu.memory_space<vmem>>, %arg7: memref<256x128xi32, #tpu.memory_space<vmem>>, %arg8: memref<!tpu.dma_semaphore, #tpu.memory_space<semaphore_mem>>, %arg9: memref<!tpu.dma_semaphore, #tpu.memory_space<semaphore_mem>>) attributes {dimension_semantics = [#tpu.dimension_semantics<core_parallel>, #tpu.dimension_semantics<subcore_parallel>], iteration_bounds = array<i64: 2, 16>, scalar_prefetch = 0 : i64, scratch_operands = 5 : i64, tpu.core_type = #tpu.core_type<sc_vector_subcore>, window_params = [{transform_indices = #map}, {transform_indices = #map1}, {transform_indices = #map1}]} {
    %mul3A = arith.constant 2 : i32
    %mul3A_0 = arith.muli %arg1, %mul3A : i32
    %add3A = arith.addi %mul3A_0, %arg0 : i32
    %mul3A_1 = arith.constant 512 : i32
    %mul3A_2 = arith.muli %add3A, %mul3A_1 : i32
    "tpu.region"() ({
      %run_scoped3A = tpu.sem_alloc : memref<!tpu.dma_semaphore, #tpu.memory_space<semaphore_mem>>
      %dma_start3A_23 = tpu.memref_slice %arg2[%mul3A_2] : memref<16384xi32, #tpu.memory_space<hbm>> -> memref<512xi32, #tpu.memory_space<hbm>>
      %dma_start3A_24 = tpu.memref_slice %arg2[%mul3A_2] : memref<16384xi32, #tpu.memory_space<hbm>> -> memref<512xi32, #tpu.memory_space<hbm>>
      tpu.enqueue_dma source(%dma_start3A_24 : memref<512xi32, #tpu.memory_space<hbm>>) target(%arg5 : memref<512xi32, #tpu.memory_space<vmem>>) target_semaphore(%run_scoped3A : memref<!tpu.dma_semaphore, #tpu.memory_space<semaphore_mem>>)
      %dma_wait3A_25 = tpu.memref_slice %arg2[%mul3A_2] : memref<16384xi32, #tpu.memory_space<hbm>> -> memref<512xi32, #tpu.memory_space<hbm>>
      %dma_wait3A_26 = tpu.memref_slice %arg2[%mul3A_2] : memref<16384xi32, #tpu.memory_space<hbm>> -> memref<512xi32, #tpu.memory_space<hbm>>
      tpu.wait_dma2 semaphore(%run_scoped3A : memref<!tpu.dma_semaphore, #tpu.memory_space<semaphore_mem>>) src(%dma_wait3A_26 : memref<512xi32, #tpu.memory_space<hbm>>) dst(%arg5 : memref<512xi32, #tpu.memory_space<vmem>>)
      tpu.yield
    }) : () -> ()
    %dma_start3A = arith.constant 0 : i32
    %dma_start3A_3 = tpu.memref_slice %arg5[%dma_start3A] : memref<512xi32, #tpu.memory_space<vmem>> -> memref<256xi32, #tpu.memory_space<vmem>>
    %dma_start3A_4 = arith.constant 0 : i32
    %dma_start3A_5 = arith.constant 0 : i32
    %dma_start3A_6 = tpu.memref_slice %arg3[%dma_start3A_4, %dma_start3A_5] : memref<500000x128xi32, #tpu.memory_space<hbm>> -> memref<500000x128xi32, #tpu.memory_space<hbm>>
    tpu.enqueue_indirect_dma source(%dma_start3A_6 : memref<500000x128xi32, #tpu.memory_space<hbm>>) target(%arg6 : memref<256x128xi32, #tpu.memory_space<vmem>>) offsets(%dma_start3A_3 : memref<256xi32, #tpu.memory_space<vmem>>) semaphore(%arg8 : memref<!tpu.dma_semaphore, #tpu.memory_space<semaphore_mem>>)
    %dma_start3A_7 = arith.constant 256 : i32
    %dma_start3A_8 = tpu.memref_slice %arg5[%dma_start3A_7] : memref<512xi32, #tpu.memory_space<vmem>> -> memref<256xi32, #tpu.memory_space<vmem>>
    %dma_start3A_9 = arith.constant 0 : i32
    %dma_start3A_10 = arith.constant 0 : i32
    %dma_start3A_11 = tpu.memref_slice %arg3[%dma_start3A_9, %dma_start3A_10] : memref<500000x128xi32, #tpu.memory_space<hbm>> -> memref<500000x128xi32, #tpu.memory_space<hbm>>
    tpu.enqueue_indirect_dma source(%dma_start3A_11 : memref<500000x128xi32, #tpu.memory_space<hbm>>) target(%arg7 : memref<256x128xi32, #tpu.memory_space<vmem>>) offsets(%dma_start3A_8 : memref<256xi32, #tpu.memory_space<vmem>>) semaphore(%arg9 : memref<!tpu.dma_semaphore, #tpu.memory_space<semaphore_mem>>)
    %dma_wait3A = arith.constant 0 : i32
    %dma_wait3A_12 = tpu.memref_slice %arg5[%dma_wait3A] : memref<512xi32, #tpu.memory_space<vmem>> -> memref<256xi32, #tpu.memory_space<vmem>>
    %dma_wait3A_13 = arith.constant 0 : i32
    %dma_wait3A_14 = arith.constant 0 : i32
    %dma_wait3A_15 = tpu.memref_slice %arg3[%dma_wait3A_13, %dma_wait3A_14] : memref<500000x128xi32, #tpu.memory_space<hbm>> -> memref<500000x128xi32, #tpu.memory_space<hbm>>
    tpu.wait_indirect_dma semaphore(%arg8 : memref<!tpu.dma_semaphore, #tpu.memory_space<semaphore_mem>>) src(%dma_wait3A_15 : memref<500000x128xi32, #tpu.memory_space<hbm>>) dst(%arg6 : memref<256x128xi32, #tpu.memory_space<vmem>>)
    "tpu.region"() ({
      %run_scoped3A = tpu.sem_alloc : memref<!tpu.dma_semaphore, #tpu.memory_space<semaphore_mem>>
      %dma_start3A_23 = arith.constant 0 : i32
      %dma_start3A_24 = tpu.memref_slice %arg4[%mul3A_2, %dma_start3A_23] : memref<16384x128xi32, #tpu.memory_space<hbm>> -> memref<256x128xi32, #tpu.memory_space<hbm>>
      %dma_start3A_25 = arith.constant 0 : i32
      %dma_start3A_26 = tpu.memref_slice %arg4[%mul3A_2, %dma_start3A_25] : memref<16384x128xi32, #tpu.memory_space<hbm>> -> memref<256x128xi32, #tpu.memory_space<hbm>>
      tpu.enqueue_dma source(%arg6 : memref<256x128xi32, #tpu.memory_space<vmem>>) target(%dma_start3A_26 : memref<256x128xi32, #tpu.memory_space<hbm>>) target_semaphore(%run_scoped3A : memref<!tpu.dma_semaphore, #tpu.memory_space<semaphore_mem>>)
      %dma_wait3A_27 = arith.constant 0 : i32
      %dma_wait3A_28 = tpu.memref_slice %arg4[%mul3A_2, %dma_wait3A_27] : memref<16384x128xi32, #tpu.memory_space<hbm>> -> memref<256x128xi32, #tpu.memory_space<hbm>>
      %dma_wait3A_29 = arith.constant 0 : i32
      %dma_wait3A_30 = tpu.memref_slice %arg4[%mul3A_2, %dma_wait3A_29] : memref<16384x128xi32, #tpu.memory_space<hbm>> -> memref<256x128xi32, #tpu.memory_space<hbm>>
      tpu.wait_dma2 semaphore(%run_scoped3A : memref<!tpu.dma_semaphore, #tpu.memory_space<semaphore_mem>>) src(%arg6 : memref<256x128xi32, #tpu.memory_space<vmem>>) dst(%dma_wait3A_30 : memref<256x128xi32, #tpu.memory_space<hbm>>)
      tpu.yield
    }) : () -> ()
    %dma_wait3A_16 = arith.constant 256 : i32
    %dma_wait3A_17 = tpu.memref_slice %arg5[%dma_wait3A_16] : memref<512xi32, #tpu.memory_space<vmem>> -> memref<256xi32, #tpu.memory_space<vmem>>
    %dma_wait3A_18 = arith.constant 0 : i32
    %dma_wait3A_19 = arith.constant 0 : i32
    %dma_wait3A_20 = tpu.memref_slice %arg3[%dma_wait3A_18, %dma_wait3A_19] : memref<500000x128xi32, #tpu.memory_space<hbm>> -> memref<500000x128xi32, #tpu.memory_space<hbm>>
    tpu.wait_indirect_dma semaphore(%arg9 : memref<!tpu.dma_semaphore, #tpu.memory_space<semaphore_mem>>) src(%dma_wait3A_20 : memref<500000x128xi32, #tpu.memory_space<hbm>>) dst(%arg7 : memref<256x128xi32, #tpu.memory_space<vmem>>)
    %add3A_21 = arith.constant 256 : i32
    %add3A_22 = arith.addi %mul3A_2, %add3A_21 : i32
    "tpu.region"() ({
      %run_scoped3A = tpu.sem_alloc : memref<!tpu.dma_semaphore, #tpu.memory_space<semaphore_mem>>
      %dma_start3A_23 = arith.constant 0 : i32
      %dma_start3A_24 = tpu.memref_slice %arg4[%add3A_22, %dma_start3A_23] : memref<16384x128xi32, #tpu.memory_space<hbm>> -> memref<256x128xi32, #tpu.memory_space<hbm>>
      %dma_start3A_25 = arith.constant 0 : i32
      %dma_start3A_26 = tpu.memref_slice %arg4[%add3A_22, %dma_start3A_25] : memref<16384x128xi32, #tpu.memory_space<hbm>> -> memref<256x128xi32, #tpu.memory_space<hbm>>
      tpu.enqueue_dma source(%arg7 : memref<256x128xi32, #tpu.memory_space<vmem>>) target(%dma_start3A_26 : memref<256x128xi32, #tpu.memory_space<hbm>>) target_semaphore(%run_scoped3A : memref<!tpu.dma_semaphore, #tpu.memory_space<semaphore_mem>>)
      %dma_wait3A_27 = arith.constant 0 : i32
      %dma_wait3A_28 = tpu.memref_slice %arg4[%add3A_22, %dma_wait3A_27] : memref<16384x128xi32, #tpu.memory_space<hbm>> -> memref<256x128xi32, #tpu.memory_space<hbm>>
      %dma_wait3A_29 = arith.constant 0 : i32
      %dma_wait3A_30 = tpu.memref_slice %arg4[%add3A_22, %dma_wait3A_29] : memref<16384x128xi32, #tpu.memory_space<hbm>> -> memref<256x128xi32, #tpu.memory_space<hbm>>
      tpu.wait_dma2 semaphore(%run_scoped3A : memref<!tpu.dma_semaphore, #tpu.memory_space<semaphore_mem>>) src(%arg7 : memref<256x128xi32, #tpu.memory_space<vmem>>) dst(%dma_wait3A_30 : memref<256x128xi32, #tpu.memory_space<hbm>>)
      tpu.yield
    }) : () -> ()
    return
  }
}

#map = affine_map<(d0, d1) -> (0)>
#map1 = affine_map<(d0, d1) -> (0, 0)>
module attributes {stable_mosaic.version = 14 : i64} {
  func.func @_gather_body(%arg0: i32, %arg1: i32, %arg2: memref<16384xi32, #tpu.memory_space<hbm>>, %arg3: memref<500000x128xi32, #tpu.memory_space<hbm>>, %arg4: memref<16384x128xi32, #tpu.memory_space<hbm>>, %arg5: memref<512xi32, #tpu.memory_space<vmem>>, %arg6: memref<256x128xi32, #tpu.memory_space<vmem>>, %arg7: memref<256x128xi32, #tpu.memory_space<vmem>>, %arg8: memref<!tpu.dma_semaphore, #tpu.memory_space<semaphore_mem>>, %arg9: memref<!tpu.dma_semaphore, #tpu.memory_space<semaphore_mem>>) attributes {dimension_semantics = [#tpu.dimension_semantics<core_parallel>, #tpu.dimension_semantics<subcore_parallel>], iteration_bounds = array<i64: 2, 16>, scalar_prefetch = 0 : i64, scratch_operands = 5 : i64, tpu.core_type = #tpu.core_type<sc_vector_subcore>, window_params = [{transform_indices = #map}, {transform_indices = #map1}, {transform_indices = #map1}]} {
    %mul3A = arith.constant 2 : i32
    %mul3A_0 = arith.muli %arg1, %mul3A : i32
    %add3A = arith.addi %mul3A_0, %arg0 : i32
    %mul3A_1 = arith.constant 512 : i32
    %mul3A_2 = arith.muli %add3A, %mul3A_1 : i32
    "tpu.region"() ({
      %run_scoped3A = tpu.sem_alloc : memref<!tpu.dma_semaphore, #tpu.memory_space<semaphore_mem>>
      %dma_start3A_23 = tpu.memref_slice %arg2[%mul3A_2] : memref<16384xi32, #tpu.memory_space<hbm>> -> memref<512xi32, #tpu.memory_space<hbm>>
      %dma_start3A_24 = tpu.memref_slice %arg2[%mul3A_2] : memref<16384xi32, #tpu.memory_space<hbm>> -> memref<512xi32, #tpu.memory_space<hbm>>
      tpu.enqueue_dma source(%dma_start3A_24 : memref<512xi32, #tpu.memory_space<hbm>>) target(%arg5 : memref<512xi32, #tpu.memory_space<vmem>>) target_semaphore(%run_scoped3A : memref<!tpu.dma_semaphore, #tpu.memory_space<semaphore_mem>>)
      %dma_wait3A_25 = tpu.memref_slice %arg2[%mul3A_2] : memref<16384xi32, #tpu.memory_space<hbm>> -> memref<512xi32, #tpu.memory_space<hbm>>
      %dma_wait3A_26 = tpu.memref_slice %arg2[%mul3A_2] : memref<16384xi32, #tpu.memory_space<hbm>> -> memref<512xi32, #tpu.memory_space<hbm>>
      tpu.wait_dma2 semaphore(%run_scoped3A : memref<!tpu.dma_semaphore, #tpu.memory_space<semaphore_mem>>) src(%dma_wait3A_26 : memref<512xi32, #tpu.memory_space<hbm>>) dst(%arg5 : memref<512xi32, #tpu.memory_space<vmem>>)
      tpu.yield
    }) : () -> ()
    %dma_start3A = arith.constant 0 : i32
    %dma_start3A_3 = tpu.memref_slice %arg5[%dma_start3A] : memref<512xi32, #tpu.memory_space<vmem>> -> memref<256xi32, #tpu.memory_space<vmem>>
    %dma_start3A_4 = arith.constant 0 : i32
    %dma_start3A_5 = arith.constant 0 : i32
    %dma_start3A_6 = tpu.memref_slice %arg3[%dma_start3A_4, %dma_start3A_5] : memref<500000x128xi32, #tpu.memory_space<hbm>> -> memref<500000x128xi32, #tpu.memory_space<hbm>>
    tpu.enqueue_indirect_dma source(%dma_start3A_6 : memref<500000x128xi32, #tpu.memory_space<hbm>>) target(%arg6 : memref<256x128xi32, #tpu.memory_space<vmem>>) offsets(%dma_start3A_3 : memref<256xi32, #tpu.memory_space<vmem>>) semaphore(%arg8 : memref<!tpu.dma_semaphore, #tpu.memory_space<semaphore_mem>>)
    %dma_start3A_7 = arith.constant 256 : i32
    %dma_start3A_8 = tpu.memref_slice %arg5[%dma_start3A_7] : memref<512xi32, #tpu.memory_space<vmem>> -> memref<256xi32, #tpu.memory_space<vmem>>
    %dma_start3A_9 = arith.constant 0 : i32
    %dma_start3A_10 = arith.constant 0 : i32
    %dma_start3A_11 = tpu.memref_slice %arg3[%dma_start3A_9, %dma_start3A_10] : memref<500000x128xi32, #tpu.memory_space<hbm>> -> memref<500000x128xi32, #tpu.memory_space<hbm>>
    tpu.enqueue_indirect_dma source(%dma_start3A_11 : memref<500000x128xi32, #tpu.memory_space<hbm>>) target(%arg7 : memref<256x128xi32, #tpu.memory_space<vmem>>) offsets(%dma_start3A_8 : memref<256xi32, #tpu.memory_space<vmem>>) semaphore(%arg9 : memref<!tpu.dma_semaphore, #tpu.memory_space<semaphore_mem>>)
    %dma_wait3A = arith.constant 0 : i32
    %dma_wait3A_12 = tpu.memref_slice %arg5[%dma_wait3A] : memref<512xi32, #tpu.memory_space<vmem>> -> memref<256xi32, #tpu.memory_space<vmem>>
    %dma_wait3A_13 = arith.constant 0 : i32
    %dma_wait3A_14 = arith.constant 0 : i32
    %dma_wait3A_15 = tpu.memref_slice %arg3[%dma_wait3A_13, %dma_wait3A_14] : memref<500000x128xi32, #tpu.memory_space<hbm>> -> memref<500000x128xi32, #tpu.memory_space<hbm>>
    tpu.wait_indirect_dma semaphore(%arg8 : memref<!tpu.dma_semaphore, #tpu.memory_space<semaphore_mem>>) src(%dma_wait3A_15 : memref<500000x128xi32, #tpu.memory_space<hbm>>) dst(%arg6 : memref<256x128xi32, #tpu.memory_space<vmem>>)
    "tpu.region"() ({
      %run_scoped3A = tpu.sem_alloc : memref<!tpu.dma_semaphore, #tpu.memory_space<semaphore_mem>>
      %dma_start3A_23 = arith.constant 0 : i32
      %dma_start3A_24 = tpu.memref_slice %arg4[%mul3A_2, %dma_start3A_23] : memref<16384x128xi32, #tpu.memory_space<hbm>> -> memref<256x128xi32, #tpu.memory_space<hbm>>
      %dma_start3A_25 = arith.constant 0 : i32
      %dma_start3A_26 = tpu.memref_slice %arg4[%mul3A_2, %dma_start3A_25] : memref<16384x128xi32, #tpu.memory_space<hbm>> -> memref<256x128xi32, #tpu.memory_space<hbm>>
      tpu.enqueue_dma source(%arg6 : memref<256x128xi32, #tpu.memory_space<vmem>>) target(%dma_start3A_26 : memref<256x128xi32, #tpu.memory_space<hbm>>) target_semaphore(%run_scoped3A : memref<!tpu.dma_semaphore, #tpu.memory_space<semaphore_mem>>)
      %dma_wait3A_27 = arith.constant 0 : i32
      %dma_wait3A_28 = tpu.memref_slice %arg4[%mul3A_2, %dma_wait3A_27] : memref<16384x128xi32, #tpu.memory_space<hbm>> -> memref<256x128xi32, #tpu.memory_space<hbm>>
      %dma_wait3A_29 = arith.constant 0 : i32
      %dma_wait3A_30 = tpu.memref_slice %arg4[%mul3A_2, %dma_wait3A_29] : memref<16384x128xi32, #tpu.memory_space<hbm>> -> memref<256x128xi32, #tpu.memory_space<hbm>>
      tpu.wait_dma2 semaphore(%run_scoped3A : memref<!tpu.dma_semaphore, #tpu.memory_space<semaphore_mem>>) src(%arg6 : memref<256x128xi32, #tpu.memory_space<vmem>>) dst(%dma_wait3A_30 : memref<256x128xi32, #tpu.memory_space<hbm>>)
      tpu.yield
    }) : () -> ()
    %dma_wait3A_16 = arith.constant 256 : i32
    %dma_wait3A_17 = tpu.memref_slice %arg5[%dma_wait3A_16] : memref<512xi32, #tpu.memory_space<vmem>> -> memref<256xi32, #tpu.memory_space<vmem>>
    %dma_wait3A_18 = arith.constant 0 : i32
    %dma_wait3A_19 = arith.constant 0 : i32
    %dma_wait3A_20 = tpu.memref_slice %arg3[%dma_wait3A_18, %dma_wait3A_19] : memref<500000x128xi32, #tpu.memory_space<hbm>> -> memref<500000x128xi32, #tpu.memory_space<hbm>>
    tpu.wait_indirect_dma semaphore(%arg9 : memref<!tpu.dma_semaphore, #tpu.memory_space<semaphore_mem>>) src(%dma_wait3A_20 : memref<500000x128xi32, #tpu.memory_space<hbm>>) dst(%arg7 : memref<256x128xi32, #tpu.memory_space<vmem>>)
    %add3A_21 = arith.constant 256 : i32
    %add3A_22 = arith.addi %mul3A_2, %add3A_21 : i32
    "tpu.region"() ({
      %run_scoped3A = tpu.sem_alloc : memref<!tpu.dma_semaphore, #tpu.memory_space<semaphore_mem>>
      %dma_start3A_23 = arith.constant 0 : i32
      %dma_start3A_24 = tpu.memref_slice %arg4[%add3A_22, %dma_start3A_23] : memref<16384x128xi32, #tpu.memory_space<hbm>> -> memref<256x128xi32, #tpu.memory_space<hbm>>
      %dma_start3A_25 = arith.constant 0 : i32
      %dma_start3A_26 = tpu.memref_slice %arg4[%add3A_22, %dma_start3A_25] : memref<16384x128xi32, #tpu.memory_space<hbm>> -> memref<256x128xi32, #tpu.memory_space<hbm>>
      tpu.enqueue_dma source(%arg7 : memref<256x128xi32, #tpu.memory_space<vmem>>) target(%dma_start3A_26 : memref<256x128xi32, #tpu.memory_space<hbm>>) target_semaphore(%run_scoped3A : memref<!tpu.dma_semaphore, #tpu.memory_space<semaphore_mem>>)
      %dma_wait3A_27 = arith.constant 0 : i32
      %dma_wait3A_28 = tpu.memref_slice %arg4[%add3A_22, %dma_wait3A_27] : memref<16384x128xi32, #tpu.memory_space<hbm>> -> memref<256x128xi32, #tpu.memory_space<hbm>>
      %dma_wait3A_29 = arith.constant 0 : i32
      %dma_wait3A_30 = tpu.memref_slice %arg4[%add3A_22, %dma_wait3A_29] : memref<16384x128xi32, #tpu.memory_space<hbm>> -> memref<256x128xi32, #tpu.memory_space<hbm>>
      tpu.wait_dma2 semaphore(%run_scoped3A : memref<!tpu.dma_semaphore, #tpu.memory_space<semaphore_mem>>) src(%arg7 : memref<256x128xi32, #tpu.memory_space<vmem>>) dst(%dma_wait3A_30 : memref<256x128xi32, #tpu.memory_space<hbm>>)
      tpu.yield
    }) : () -> ()
    return
  }
}

module attributes {stable_mosaic.version = 14 : i64} {
  func.func @_repack_body(%arg0: i32, %arg1: memref<64x12288xf32, #tpu.memory_space<vmem>>, %arg2: memref<64x12288xf32, #tpu.memory_space<vmem>>, %arg3: memref<6144x128xi32, #tpu.memory_space<vmem>>) attributes {dimension_semantics = [#tpu.dimension_semantics<parallel>], iteration_bounds = array<i64: 82>, scalar_prefetch = 0 : i64, scratch_operands = 0 : i64, tpu.core_type = #tpu.core_type<tc>, window_params = [{transform_indices = @transform_0, window_bounds = array<i64: 64, 12288>}, {transform_indices = @transform_1, window_bounds = array<i64: 64, 12288>}, {transform_indices = @transform_2, window_bounds = array<i64: 6144, 128>}]} {
    %iota3A = tpu.iota {dimensions = array<i32: 0>} : vector<64x64xi32>
    %iota3A_0 = tpu.iota {dimensions = array<i32: 1>} : vector<64x64xi32>
    %add3A = arith.constant 0 : i32
    %add3A_1 = vector.broadcast %add3A : i32 to vector<64x64xi32>
    %add3A_2 = arith.addi %iota3A, %add3A_1 : vector<64x64xi32>
    %eq3A = arith.cmpi eq, %add3A_2, %iota3A_0 : vector<64x64xi32>
    %convert_element_type3A = arith.extui %eq3A : vector<64x64xi1> to vector<64x64xi32>
    %convert_element_type3A_3 = arith.sitofp %convert_element_type3A : vector<64x64xi32> to vector<64x64xf32>
    %get3A = arith.constant 0 : index
    %get3A_4 = arith.constant 0 : index
    %get3A_5 = vector.load %arg1[%get3A, %get3A_4] : memref<64x12288xf32, #tpu.memory_space<vmem>>, vector<64x12288xf32>
    %dot_general3A = arith.constant dense<0.000000e+00> : vector<12288x64xf32>
    %dot_general3A_6 = tpu.matmul %get3A_5, %convert_element_type3A_3, %dot_general3A {dimension_numbers = #tpu.dot_dimension_numbers<[0], [0], [1], [1], [0, 1, 1, 1], [], []>, transpose_lhs_hint = false} : vector<64x12288xf32>, vector<64x64xf32>, vector<12288x64xf32> -> vector<12288x64xf32>
    %get3A_7 = arith.constant 0 : index
    %get3A_8 = arith.constant 0 : index
    %get3A_9 = vector.load %arg2[%get3A_7, %get3A_8] : memref<64x12288xf32, #tpu.memory_space<vmem>>, vector<64x12288xf32>
    %dot_general3A_10 = arith.constant dense<0.000000e+00> : vector<12288x64xf32>
    %dot_general3A_11 = tpu.matmul %get3A_9, %convert_element_type3A_3, %dot_general3A_10 {dimension_numbers = #tpu.dot_dimension_numbers<[0], [0], [1], [1], [0, 1, 1, 1], [], []>, transpose_lhs_hint = false} : vector<64x12288xf32>, vector<64x64xf32>, vector<12288x64xf32> -> vector<12288x64xf32>
    %concatenate3A = tpu.concatenate %dot_general3A_6, %dot_general3A_11 in 1 : vector<12288x64xf32>, vector<12288x64xf32> -> vector<12288x128xf32>
    %convert_element_type3A_12 = arith.truncf %concatenate3A : vector<12288x128xf32> to vector<12288x128xbf16>
    %bitcast3A = tpu.bitcast %convert_element_type3A_12 : vector<12288x128xbf16> -> vector<6144x128xi32>
    %swap3A = arith.constant 0 : index
    %swap3A_13 = arith.constant 0 : index
    %swap3A_14 = vector.load %arg3[%swap3A, %swap3A_13] : memref<6144x128xi32, #tpu.memory_space<vmem>>, vector<6144x128xi32>
    tpu.vector_store %arg3[%swap3A, %swap3A_13], %bitcast3A {strides = array<i32>} : memref<6144x128xi32, #tpu.memory_space<vmem>>, vector<6144x128xi32>,
    return
  }
  func.func @transform_0(%arg0: i32) -> (i32, i32) {
    %c0_i32 = arith.constant 0 : i32
    %c0_i32_0 = arith.constant 0 : i32
    return %c0_i32, %arg0 : i32, i32
  }
  func.func @transform_1(%arg0: i32) -> (i32, i32) {
    %c0_i32 = arith.constant 0 : i32
    %c0_i32_0 = arith.constant 0 : i32
    return %c0_i32, %arg0 : i32, i32
  }
  func.func @transform_2(%arg0: i32) -> (i32, i32) {
    %c0_i32 = arith.constant 0 : i32
    %c0_i32_0 = arith.constant 0 : i32
    return %arg0, %c0_i32 : i32, i32
  }
}

module attributes {stable_mosaic.version = 14 : i64} {
  func.func @_mlp_body(%arg0: i32, %arg1: memref<2048x128xi32, #tpu.memory_space<vmem>>, %arg2: memref<2048x128xi32, #tpu.memory_space<vmem>>, %arg3: memref<2048x1xi32, #tpu.memory_space<vmem>>, %arg4: memref<2048x1xi32, #tpu.memory_space<vmem>>, %arg5: memref<128x128xf32, #tpu.memory_space<vmem>>, %arg6: memref<1x128xf32, #tpu.memory_space<vmem>>, %arg7: memref<1x128xf32, #tpu.memory_space<vmem>>, %arg8: memref<1x128xf32, #tpu.memory_space<vmem>>, %arg9: memref<64x128xf32, #tpu.memory_space<vmem>>, %arg10: memref<1x64xf32, #tpu.memory_space<vmem>>, %arg11: memref<1x64xf32, #tpu.memory_space<vmem>>, %arg12: memref<1x64xf32, #tpu.memory_space<vmem>>, %arg13: memref<1x128xf32, #tpu.memory_space<vmem>>, %arg14: memref<1x1xf32, #tpu.memory_space<vmem>>, %arg15: memref<2048x1xf32, #tpu.memory_space<vmem>>) attributes {dimension_semantics = [#tpu.dimension_semantics<arbitrary>], iteration_bounds = array<i64: 8>, scalar_prefetch = 0 : i64, scratch_operands = 0 : i64, tpu.core_type = #tpu.core_type<tc>, window_params = [{transform_indices = @transform_0, window_bounds = array<i64: 2048, 128>}, {transform_indices = @transform_1, window_bounds = array<i64: 2048, 128>}, {transform_indices = @transform_2, window_bounds = array<i64: 2048, 1>}, {transform_indices = @transform_3, window_bounds = array<i64: 2048, 1>}, {pipeline_mode = #tpu.pipeline_mode<synchronous>, transform_indices = @transform_4, window_bounds = array<i64: 128, 128>}, {pipeline_mode = #tpu.pipeline_mode<synchronous>, transform_indices = @transform_5, window_bounds = array<i64: 1, 128>}, {pipeline_mode = #tpu.pipeline_mode<synchronous>, transform_indices = @transform_6, window_bounds = array<i64: 1, 128>}, {pipeline_mode = #tpu.pipeline_mode<synchronous>, transform_indices = @transform_7, window_bounds = array<i64: 1, 128>}, {pipeline_mode = #tpu.pipeline_mode<synchronous>, transform_indices = @transform_8, window_bounds = array<i64: 64, 128>}, {pipeline_mode = #tpu.pipeline_mode<synchronous>, transform_indices = @transform_9, window_bounds = array<i64: 1, 64>}, {pipeline_mode = #tpu.pipeline_mode<synchronous>, transform_indices = @transform_10, window_bounds = array<i64: 1, 64>}, {pipeline_mode = #tpu.pipeline_mode<synchronous>, transform_indices = @transform_11, window_bounds = array<i64: 1, 64>}, {pipeline_mode = #tpu.pipeline_mode<synchronous>, transform_indices = @transform_12, window_bounds = array<i64: 1, 128>}, {pipeline_mode = #tpu.pipeline_mode<synchronous>, transform_indices = @transform_13, window_bounds = array<i64: 1, 1>}, {transform_indices = @transform_14, window_bounds = array<i64: 2048, 1>}]} {
    %sqrt3A = arith.constant 1.000010e+00 : f32
    %sqrt3A_0 = math.sqrt %sqrt3A : f32
    %div3A = arith.constant 1.000000e+00 : f32
    %div3A_1 = arith.divf %div3A, %sqrt3A_0 : f32
    %get3A = arith.constant 0 : index
    %get3A_2 = arith.constant 0 : index
    %get3A_3 = vector.load %arg1[%get3A, %get3A_2] : memref<2048x128xi32, #tpu.memory_space<vmem>>, vector<2048x128xi32>
    %get3A_4 = arith.constant 0 : index
    %get3A_5 = arith.constant 0 : index
    %get3A_6 = vector.load %arg3[%get3A_4, %get3A_5] : memref<2048x1xi32, #tpu.memory_space<vmem>>, vector<2048x1xi32>
    %shift_left3A = arith.constant 16 : i32
    %shift_left3A_7 = vector.broadcast %shift_left3A : i32 to vector<2048x128xi32>
    %shift_left3A_8 = arith.shli %get3A_3, %shift_left3A_7 : vector<2048x128xi32>
    %bitcast_convert_type3A = tpu.bitcast %shift_left3A_8 : vector<2048x128xi32> -> vector<2048x128xf32>
    %and3A = arith.constant -65536 : i32
    %and3A_9 = vector.broadcast %and3A : i32 to vector<2048x128xi32>
    %and3A_10 = arith.andi %get3A_3, %and3A_9 : vector<2048x128xi32>
    %bitcast_convert_type3A_11 = tpu.bitcast %and3A_10 : vector<2048x128xi32> -> vector<2048x128xf32>
    %eq3A = arith.constant 1 : i32
    %eq3A_12 = vector.broadcast %eq3A : i32 to vector<2048x1xi32>
    %eq3A_13 = arith.cmpi eq, %get3A_6, %eq3A_12 : vector<2048x1xi32>
    %broadcast_in_dim3A = vector.shape_cast %eq3A_13 : vector<2048x1xi1> to vector<2048x1xi1>
    %broadcast_in_dim3A_14 = vector.broadcast %broadcast_in_dim3A : vector<2048x1xi1> to vector<2048x128xi1>
    %select_n3A = arith.select %broadcast_in_dim3A_14, %bitcast_convert_type3A_11, %bitcast_convert_type3A : vector<2048x128xi1>, vector<2048x128xf32>
    %get3A_15 = arith.constant 0 : index
    %get3A_16 = arith.constant 0 : index
    %get3A_17 = vector.load %arg2[%get3A_15, %get3A_16] : memref<2048x128xi32, #tpu.memory_space<vmem>>, vector<2048x128xi32>
    %get3A_18 = arith.constant 0 : index
    %get3A_19 = arith.constant 0 : index
    %get3A_20 = vector.load %arg4[%get3A_18, %get3A_19] : memref<2048x1xi32, #tpu.memory_space<vmem>>, vector<2048x1xi32>
    %shift_left3A_21 = arith.constant 16 : i32
    %shift_left3A_22 = vector.broadcast %shift_left3A_21 : i32 to vector<2048x128xi32>
    %shift_left3A_23 = arith.shli %get3A_17, %shift_left3A_22 : vector<2048x128xi32>
    %bitcast_convert_type3A_24 = tpu.bitcast %shift_left3A_23 : vector<2048x128xi32> -> vector<2048x128xf32>
    %and3A_25 = arith.constant -65536 : i32
    %and3A_26 = vector.broadcast %and3A_25 : i32 to vector<2048x128xi32>
    %and3A_27 = arith.andi %get3A_17, %and3A_26 : vector<2048x128xi32>
    %bitcast_convert_type3A_28 = tpu.bitcast %and3A_27 : vector<2048x128xi32> -> vector<2048x128xf32>
    %eq3A_29 = arith.constant 1 : i32
    %eq3A_30 = vector.broadcast %eq3A_29 : i32 to vector<2048x1xi32>
    %eq3A_31 = arith.cmpi eq, %get3A_20, %eq3A_30 : vector<2048x1xi32>
    %broadcast_in_dim3A_32 = vector.shape_cast %eq3A_31 : vector<2048x1xi1> to vector<2048x1xi1>
    %broadcast_in_dim3A_33 = vector.broadcast %broadcast_in_dim3A_32 : vector<2048x1xi1> to vector<2048x128xi1>
    %select_n3A_34 = arith.select %broadcast_in_dim3A_33, %bitcast_convert_type3A_28, %bitcast_convert_type3A_24 : vector<2048x128xi1>, vector<2048x128xf32>
    %slice3A = vector.extract_strided_slice %select_n3A {offsets = [0, 64], sizes = [2048, 64], strides = [1, 1]} : vector<2048x128xf32> to vector<2048x64xf32>
    %slice3A_35 = vector.extract_strided_slice %select_n3A_34 {offsets = [0, 64], sizes = [2048, 64], strides = [1, 1]} : vector<2048x128xf32> to vector<2048x64xf32>
    %concatenate3A = tpu.concatenate %slice3A, %slice3A_35 in 1 : vector<2048x64xf32>, vector<2048x64xf32> -> vector<2048x128xf32>
    %get3A_36 = arith.constant 0 : index
    %get3A_37 = arith.constant 0 : index
    %get3A_38 = vector.load %arg5[%get3A_36, %get3A_37] : memref<128x128xf32, #tpu.memory_space<vmem>>, vector<128x128xf32>
    %dot_general3A = arith.constant dense<0.000000e+00> : vector<2048x128xf32>
    %dot_general3A_39 = tpu.matmul %concatenate3A, %get3A_38, %dot_general3A {dimension_numbers = #tpu.dot_dimension_numbers<[1], [1], [0], [0], [0, 0, 1, 0], [], []>, transpose_lhs_hint = false} : vector<2048x128xf32>, vector<128x128xf32>, vector<2048x128xf32> -> vector<2048x128xf32>
    %get3A_40 = arith.constant 0 : index
    %get3A_41 = arith.constant 0 : index
    %get3A_42 = vector.load %arg6[%get3A_40, %get3A_41] : memref<1x128xf32, #tpu.memory_space<vmem>>, vector<1x128xf32>
    %add3A = vector.broadcast %get3A_42 : vector<1x128xf32> to vector<2048x128xf32>
    %add3A_43 = arith.addf %dot_general3A_39, %add3A : vector<2048x128xf32>
    %mul3A = vector.broadcast %div3A_1 : f32 to vector<2048x128xf32>
    %mul3A_44 = arith.mulf %add3A_43, %mul3A : vector<2048x128xf32>
    %get3A_45 = arith.constant 0 : index
    %get3A_46 = arith.constant 0 : index
    %get3A_47 = vector.load %arg7[%get3A_45, %get3A_46] : memref<1x128xf32, #tpu.memory_space<vmem>>, vector<1x128xf32>
    %mul3A_48 = vector.broadcast %get3A_47 : vector<1x128xf32> to vector<2048x128xf32>
    %mul3A_49 = arith.mulf %mul3A_44, %mul3A_48 : vector<2048x128xf32>
    %get3A_50 = arith.constant 0 : index
    %get3A_51 = arith.constant 0 : index
    %get3A_52 = vector.load %arg8[%get3A_50, %get3A_51] : memref<1x128xf32, #tpu.memory_space<vmem>>, vector<1x128xf32>
    %add3A_53 = vector.broadcast %get3A_52 : vector<1x128xf32> to vector<2048x128xf32>
    %add3A_54 = arith.addf %mul3A_49, %add3A_53 : vector<2048x128xf32>
    %max3A = arith.constant 0.000000e+00 : f32
    %max3A_55 = vector.broadcast %max3A : f32 to vector<2048x128xf32>
    %max3A_56 = arith.maximumf %add3A_54, %max3A_55 : vector<2048x128xf32>
    %get3A_57 = arith.constant 0 : index
    %get3A_58 = arith.constant 0 : index
    %get3A_59 = vector.load %arg9[%get3A_57, %get3A_58] : memref<64x128xf32, #tpu.memory_space<vmem>>, vector<64x128xf32>
    %dot_general3A_60 = arith.constant dense<0.000000e+00> : vector<2048x64xf32>
    %dot_general3A_61 = tpu.matmul %max3A_56, %get3A_59, %dot_general3A_60 {dimension_numbers = #tpu.dot_dimension_numbers<[1], [1], [0], [0], [0, 0, 1, 0], [], []>, transpose_lhs_hint = false} : vector<2048x128xf32>, vector<64x128xf32>, vector<2048x64xf32> -> vector<2048x64xf32>
    %get3A_62 = arith.constant 0 : index
    %get3A_63 = arith.constant 0 : index
    %get3A_64 = vector.load %arg10[%get3A_62, %get3A_63] : memref<1x64xf32, #tpu.memory_space<vmem>>, vector<1x64xf32>
    %add3A_65 = vector.broadcast %get3A_64 : vector<1x64xf32> to vector<2048x64xf32>
    %add3A_66 = arith.addf %dot_general3A_61, %add3A_65 : vector<2048x64xf32>
    %mul3A_67 = vector.broadcast %div3A_1 : f32 to vector<2048x64xf32>
    %mul3A_68 = arith.mulf %add3A_66, %mul3A_67 : vector<2048x64xf32>
    %get3A_69 = arith.constant 0 : index
    %get3A_70 = arith.constant 0 : index
    %get3A_71 = vector.load %arg11[%get3A_69, %get3A_70] : memref<1x64xf32, #tpu.memory_space<vmem>>, vector<1x64xf32>
    %mul3A_72 = vector.broadcast %get3A_71 : vector<1x64xf32> to vector<2048x64xf32>
    %mul3A_73 = arith.mulf %mul3A_68, %mul3A_72 : vector<2048x64xf32>
    %get3A_74 = arith.constant 0 : index
    %get3A_75 = arith.constant 0 : index
    %get3A_76 = vector.load %arg12[%get3A_74, %get3A_75] : memref<1x64xf32, #tpu.memory_space<vmem>>, vector<1x64xf32>
    %add3A_77 = vector.broadcast %get3A_76 : vector<1x64xf32> to vector<2048x64xf32>
    %add3A_78 = arith.addf %mul3A_73, %add3A_77 : vector<2048x64xf32>
    %max3A_79 = arith.constant 0.000000e+00 : f32
    %max3A_80 = vector.broadcast %max3A_79 : f32 to vector<2048x64xf32>
    %max3A_81 = arith.maximumf %add3A_78, %max3A_80 : vector<2048x64xf32>
    %slice3A_82 = vector.extract_strided_slice %select_n3A {offsets = [0, 0], sizes = [2048, 64], strides = [1, 1]} : vector<2048x128xf32> to vector<2048x64xf32>
    %slice3A_83 = vector.extract_strided_slice %select_n3A_34 {offsets = [0, 0], sizes = [2048, 64], strides = [1, 1]} : vector<2048x128xf32> to vector<2048x64xf32>
    %mul3A_84 = arith.mulf %slice3A_82, %slice3A_83 : vector<2048x64xf32>
    %concatenate3A_85 = tpu.concatenate %mul3A_84, %max3A_81 in 1 : vector<2048x64xf32>, vector<2048x64xf32> -> vector<2048x128xf32>
    %get3A_86 = arith.constant 0 : index
    %get3A_87 = arith.constant 0 : index
    %get3A_88 = vector.load %arg13[%get3A_86, %get3A_87] : memref<1x128xf32, #tpu.memory_space<vmem>>, vector<1x128xf32>
    %mul3A_89 = vector.broadcast %get3A_88 : vector<1x128xf32> to vector<2048x128xf32>
    %mul3A_90 = arith.mulf %concatenate3A_85, %mul3A_89 : vector<2048x128xf32>
    %reduce_sum3A = arith.constant dense<0.000000e+00> : vector<2048xf32>
    %reduce_sum3A_91 = vector.multi_reduction <add>, %mul3A_90, %reduce_sum3A [1] : vector<2048x128xf32> to vector<2048xf32>
    %broadcast_in_dim3A_92 = vector.shape_cast %reduce_sum3A_91 : vector<2048xf32> to vector<2048x1xf32>
    %get3A_93 = arith.constant 0 : index
    %get3A_94 = arith.constant 0 : index
    %get3A_95 = vector.load %arg14[%get3A_93, %get3A_94] : memref<1x1xf32, #tpu.memory_space<vmem>>, vector<1x1xf32>
    %get3A_96 = vector.extract %get3A_95[0, 0] : f32 from vector<1x1xf32>
    %add3A_97 = vector.broadcast %get3A_96 : f32 to vector<2048x1xf32>
    %add3A_98 = arith.addf %broadcast_in_dim3A_92, %add3A_97 : vector<2048x1xf32>
    %neg3A = arith.constant 0.000000e+00 : f32
    %neg3A_99 = vector.broadcast %neg3A : f32 to vector<2048x1xf32>
    %neg3A_100 = arith.subf %neg3A_99, %add3A_98 : vector<2048x1xf32>
    %exp3A = math.exp %neg3A_100 : vector<2048x1xf32>
    %add3A_101 = arith.constant 1.000000e+00 : f32
    %add3A_102 = vector.broadcast %add3A_101 : f32 to vector<2048x1xf32>
    %add3A_103 = arith.addf %add3A_102, %exp3A : vector<2048x1xf32>
    %div3A_104 = arith.constant 1.000000e+00 : f32
    %div3A_105 = vector.broadcast %div3A_104 : f32 to vector<2048x1xf32>
    %div3A_106 = arith.divf %div3A_105, %add3A_103 : vector<2048x1xf32>
    %swap3A = arith.constant 0 : index
    %swap3A_107 = arith.constant 0 : index
    %swap3A_108 = vector.load %arg15[%swap3A, %swap3A_107] : memref<2048x1xf32, #tpu.memory_space<vmem>>, vector<2048x1xf32>
    tpu.vector_store %arg15[%swap3A, %swap3A_107], %div3A_106 {strides = array<i32>} : memref<2048x1xf32, #tpu.memory_space<vmem>>, vector<2048x1xf32>,
    return
  }
  func.func @transform_0(%arg0: i32) -> (i32, i32) {
    %c0_i32 = arith.constant 0 : i32
    %c0_i32_0 = arith.constant 0 : i32
    return %arg0, %c0_i32 : i32, i32
  }
  func.func @transform_1(%arg0: i32) -> (i32, i32) {
    %c0_i32 = arith.constant 0 : i32
    %c0_i32_0 = arith.constant 0 : i32
    return %arg0, %c0_i32 : i32, i32
  }
  func.func @transform_2(%arg0: i32) -> (i32, i32) {
    %c0_i32 = arith.constant 0 : i32
    %c0_i32_0 = arith.constant 0 : i32
    return %arg0, %c0_i32 : i32, i32
  }
  func.func @transform_3(%arg0: i32) -> (i32, i32) {
    %c0_i32 = arith.constant 0 : i32
    %c0_i32_0 = arith.constant 0 : i32
    return %arg0, %c0_i32 : i32, i32
  }
  func.func @transform_4(%arg0: i32) -> (i32, i32) {
    %c0_i32 = arith.constant 0 : i32
    %c0_i32_0 = arith.constant 0 : i32
    %c0_i32_1 = arith.constant 0 : i32
    return %c0_i32, %c0_i32_0 : i32, i32
  }
  func.func @transform_5(%arg0: i32) -> (i32, i32) {
    %c0_i32 = arith.constant 0 : i32
    %c0_i32_0 = arith.constant 0 : i32
    %c0_i32_1 = arith.constant 0 : i32
    return %c0_i32, %c0_i32_0 : i32, i32
  }
  func.func @transform_6(%arg0: i32) -> (i32, i32) {
    %c0_i32 = arith.constant 0 : i32
    %c0_i32_0 = arith.constant 0 : i32
    %c0_i32_1 = arith.constant 0 : i32
    return %c0_i32, %c0_i32_0 : i32, i32
  }
  func.func @transform_7(%arg0: i32) -> (i32, i32) {
    %c0_i32 = arith.constant 0 : i32
    %c0_i32_0 = arith.constant 0 : i32
    %c0_i32_1 = arith.constant 0 : i32
    return %c0_i32, %c0_i32_0 : i32, i32
  }
  func.func @transform_8(%arg0: i32) -> (i32, i32) {
    %c0_i32 = arith.constant 0 : i32
    %c0_i32_0 = arith.constant 0 : i32
    %c0_i32_1 = arith.constant 0 : i32
    return %c0_i32, %c0_i32_0 : i32, i32
  }
  func.func @transform_9(%arg0: i32) -> (i32, i32) {
    %c0_i32 = arith.constant 0 : i32
    %c0_i32_0 = arith.constant 0 : i32
    %c0_i32_1 = arith.constant 0 : i32
    return %c0_i32, %c0_i32_0 : i32, i32
  }
  func.func @transform_10(%arg0: i32) -> (i32, i32) {
    %c0_i32 = arith.constant 0 : i32
    %c0_i32_0 = arith.constant 0 : i32
    %c0_i32_1 = arith.constant 0 : i32
    return %c0_i32, %c0_i32_0 : i32, i32
  }
  func.func @transform_11(%arg0: i32) -> (i32, i32) {
    %c0_i32 = arith.constant 0 : i32
    %c0_i32_0 = arith.constant 0 : i32
    %c0_i32_1 = arith.constant 0 : i32
    return %c0_i32, %c0_i32_0 : i32, i32
  }
  func.func @transform_12(%arg0: i32) -> (i32, i32) {
    %c0_i32 = arith.constant 0 : i32
    %c0_i32_0 = arith.constant 0 : i32
    %c0_i32_1 = arith.constant 0 : i32
    return %c0_i32, %c0_i32_0 : i32, i32
  }
  func.func @transform_13(%arg0: i32) -> (i32, i32) {
    %c0_i32 = arith.constant 0 : i32
    %c0_i32_0 = arith.constant 0 : i32
    %c0_i32_1 = arith.constant 0 : i32
    return %c0_i32, %c0_i32_0 : i32, i32
  }
  func.func @transform_14(%arg0: i32) -> (i32, i32) {
    %c0_i32 = arith.constant 0 : i32
    %c0_i32_0 = arith.constant 0 : i32
    return %arg0, %c0_i32 : i32, i32
  }
}

</mosaic_0001>

<sc_bundles>
// kernel: kernel.10.cloned.1.call-start
scs
__scs_entry_jumppad:
0x0: {  	(pc) =	sbr.rel $0x88, $3  }
0x1: {  	(tag) =	ssettag $0x0;
	lr =	simm.s32 $0x1  }
0x2: {  	[smem:$0x3F91] =	sst lr;
	_ =	strace $0xD0000000  }
0x3: {  	_ = 	snop  }
0x4: {  	_ = 	snop  }
0x5: {  	_ = 	snop  }
0x6: {  	_ = 	snop  }
0x7: {  	_ = 	snop  }
__scs_overlays_trampoline_lowered:
0x8: {  	[smem:$0x3FA0] =	sst s0  }
0x9: {  	[smem:$0x3FA1] =	sst s1  }
0xa: {  	[smem:$0x3FA2] =	sst s2  }
0xb: {  	[smem:$0x3FA3] =	sst s3  }
0xc: {  	[smem:$0x3FA4] =	sst s4  }
0xd: {  	[smem:$0x3FA5] =	sst s5  }
0xe: {  	[smem:$0x3FA6] =	sst s6  }
0xf: {  	[smem:$0x3FA7] =	sst s7  }
0x10: {  	[smem:$0x3FA8] =	sst s8  }
0x11: {  	[smem:$0x3FA9] =	sst s9;
	s0 =	simm.s32 @!p0 $0x0  }
0x12: {  	s1 =	sld [smem:$0x3F8F];
	s0 =	simm.s32 @p0 $0x1  }
0x13: {  	[smem:$0x3FAA] =	sst s0;
	s0 =	simm.s32 @!p1 $0x0  }
0x14: {  	s2 =	sld [smem:$0x3F8E];
	s0 =	simm.s32 @p1 $0x1  }
0x15: {  	[smem:$0x3FAB] =	sst s0;
	s0 =	simm.s32 @!p2 $0x0  }
0x16: {  	s3 =	sld [smem:$0x3FDB];
	s0 =	simm.s32 @p2 $0x1  }
0x17: {  	s4 =	simm.s32 $0x1BF5;
	[smem:$0x3FAD] =	sst s0  }
0x18: {  	s0 =	sld [smem:$0x3F90];
	_ =	swait.ge [sflag:s4], $0x0  }
0x19: {  	s7 =	sld [smem:$0x3F91]  }
0x1a: {  	s8 =	sadd.s32 $0xFFFFE003, lr  }
0x1b: {  	s9 =	sadd.s32 $0xFFFFFEF7, lr;
	s5 =	simm.s32 $0xFFFFFFFF;
	p2 =	slt.u32 s8, $0xFFFFF086  }
0x1c: {  	p1 =	slt.u32 s9, $0xF7A;
	s5 =	simm.s32 @!p2 $0x0  }
0x1d: {  	s5 =	simm.s32 @p1 $0x1;
	p0 =	seq.s32 s7, s2  }
0x1e: {  	s7 =	smul.u32 @!p0 $0xF7A, s2;
	p2 =	seq.s32 @!p0 s5, $0x0  }
0x1f: {  	s9 =	smul.u32 $0xF7A, s1;
	s8 =	simm.s32 @!p0 $0x1BF5;
	p2 =	por !p2, p0  }
0x20: {  	[sflag:s8] =	ssyncset.s32 @!p0 $0xFFFFF086;
	s6 =	sadd.s32 @!p0 s3, s7;
	s7 =	simm.s32 @!p0 $0x108  }
0x21: {  	s3 =	sadd.s32 s3, s9;
	s6 =	sadd.s32 @!p0 $0x88, s6;
	s7 =	simm.s32 @p2 $0x1082  }
0x22: {  	[simem:s7], [sflag:s8] =	dma.local @!p0 [hbm:s6], $0xF7A  }
0x23: {  	s9 =	sor.u32 $0xD0000000, s2;
	s6 =	simm.s32 $0x108;
	_ =	swait.ge @!p0 [sflag:s8], $0x0  }
0x24: {  	s3 =	sadd.s32 $0x88, s3;
	s6 =	simm.s32 @!p1 $0x1082;
	[sflag:s4] =	ssyncset.s32 $0xFFFFF086  }
0x25: {  	[simem:s6], [sflag:s4] =	dma.local [hbm:s3], $0xF7A  }
0x26: {  	[smem:$0x3F91] =	sst s1;
	(tag) =	ssettag s2;
	_ =	strace s9  }
0x27: {  	s1 =	sld [smem:$0x3FA1]  }
0x28: {  	s2 =	sld [smem:$0x3FA2]  }
0x29: {  	s4 =	sld [smem:$0x3FA4]  }
0x2a: {  	p0 =	seq.s32 s5, $0x0;
	s5 =	sld [smem:$0x3FA5]  }
0x2b: {  	s6 =	sld [smem:$0x3FA6]  }
0x2c: {  	s7 =	sld [smem:$0x3FA7]  }
0x2d: {  	s3 =	simm.s32 $0x108;
	s8 =	sld [smem:$0x3FA8]  }
0x2e: {  	s3 =	simm.s32 @!p0 $0x1082;
	s9 =	sld [smem:$0x3FA9]  }
0x2f: {  	lr =	sadd.s32 s0, s3;
	s0 =	sld [smem:$0x3FA0]  }
0x30: {  	s3 =	sld [smem:$0x3FA3]  }
0x31: {  	[smem:$0x3FAC] =	sst s10  }
0x32: {  	s10 =	sld [smem:$0x3FAA];
	_ =	sdelay $0x3  }
0x33: {  	p0 =	seq.s32 s10, $0x1;
	s10 =	sld [smem:$0x3FAC];
	_ =	sdelay $0x3  }
0x34: {  	[smem:$0x3FAC] =	sst s10  }
0x35: {  	s10 =	sld [smem:$0x3FAB];
	_ =	sdelay $0x3  }
0x36: {  	p1 =	seq.s32 s10, $0x1;
	s10 =	sld [smem:$0x3FAC];
	_ =	sdelay $0x3  }
0x37: {  	[smem:$0x3FAC] =	sst s10  }
0x38: {  	s10 =	sld [smem:$0x3FAD]  }
0x39: {  	_ = 	snop;
	(pc) =	sbr.ind lr, $3  }
0x3a: {  	_ = 	snop  }
0x3b: {  	_ = 	snop  }
0x3c: {  	p2 =	seq.s32 s10, $0x1;
	s10 =	sld [smem:$0x3FAC]  }
0x3d: {  	_ =	shalt  }
0x3e: {  	_ =	shalt  }
0x3f: {  	_ =	shalt  }
0x40: {  	_ =	shalt  }
0x41: {  	_ =	shalt  }
0x42: {  	_ =	shalt  }
0x43: {  	_ =	shalt  }
0x44: {  	_ =	shalt  }
0x45: {  	_ =	shalt  }
0x46: {  	_ =	shalt  }
0x47: {  	_ =	shalt  }
0x48: {  	_ =	shalt  }
0x49: {  	_ =	shalt  }
0x4a: {  	_ =	shalt  }
0x4b: {  	_ =	shalt  }
0x4c: {  	_ =	shalt  }
0x4d: {  	_ =	shalt  }
0x4e: {  	_ =	shalt  }
0x4f: {  	_ =	shalt  }
0x50: {  	_ =	shalt  }
0x51: {  	_ =	shalt  }
0x52: {  	_ =	shalt  }
0x53: {  	_ =	shalt  }
0x54: {  	_ =	shalt  }
0x55: {  	_ =	shalt  }
0x56: {  	_ =	shalt  }
0x57: {  	_ =	shalt  }
0x58: {  	_ =	shalt  }
0x59: {  	_ =	shalt  }
0x5a: {  	_ =	shalt  }
0x5b: {  	_ =	shalt  }
0x5c: {  	_ =	shalt  }
0x5d: {  	_ =	shalt  }
0x5e: {  	_ =	shalt  }
0x5f: {  	_ =	shalt  }
0x60: {  	_ =	shalt  }
0x61: {  	_ =	shalt  }
0x62: {  	_ =	shalt  }
0x63: {  	_ =	shalt  }
0x64: {  	_ =	shalt  }
0x65: {  	_ =	shalt  }
0x66: {  	_ =	shalt  }
0x67: {  	_ =	shalt  }
0x68: {  	_ =	shalt  }
0x69: {  	_ =	shalt  }
0x6a: {  	_ =	shalt  }
0x6b: {  	_ =	shalt  }
0x6c: {  	_ =	shalt  }
0x6d: {  	_ =	shalt  }
0x6e: {  	_ =	shalt  }
0x6f: {  	_ =	shalt  }
0x70: {  	_ =	shalt  }
0x71: {  	_ =	shalt  }
0x72: {  	_ =	shalt  }
0x73: {  	_ =	shalt  }
0x74: {  	_ =	shalt  }
0x75: {  	_ =	shalt  }
0x76: {  	_ =	shalt  }
0x77: {  	_ =	shalt  }
0x78: {  	_ =	shalt  }
0x79: {  	_ =	shalt  }
0x7a: {  	_ =	shalt  }
0x7b: {  	_ =	shalt  }
0x7c: {  	_ =	shalt  }
0x7d: {  	_ =	shalt  }
0x7e: {  	_ =	shalt  }
0x7f: {  	_ =	shalt  }
0x80: {  	_ =	shalt  }
0x81: {  	_ =	shalt  }
0x82: {  	_ =	shalt  }
0x83: {  	_ =	shalt  }
0x84: {  	_ =	shalt  }
0x85: {  	_ =	shalt  }
0x86: {  	_ =	shalt  }
0x87: {  	_ =	shalt  }
.Lfunc_end0:
.L_simem_size_0:
called_computation.1_lowered:
.L_overlay_start_0:
0x88: {  	s2 =	sld [smem:$0x3FD9]  }
0x89: {  	s3 =	sld [smem:$0x3FFE];
	_ =	sdelay $0x1  }
0x8a: {  	s1 =	srdreg.scid  }
0x8b: {  	s0 =	sand.u32 $0x1, s1  }
0x8c: {  	s16 =	sshll.u32 s0, $0xA;
	s2 =	sadd.s32 s3, s2  }
0x8d: {  	s2 =	sadd.s32 s2, s16  }
0x8e: {  	[smem:$0x3FB8] =	sst s2  }
0x8f: {  	_ = 	snop  }
0x90: {  	(tm) =	ssettm $0x1  }
0x91: {  	s17 =	sld [smem:$0x3FFB];
	_ =	sdelay $0x3  }
0x92: {  	_ =	strace s17  }
0x93: {  	s2 =	sld [smem:$0x3FFC];
	_ =	sdelay $0x3  }
0x94: {  	_ =	strace s2  }
0x95: {  	s2 =	sld [smem:$0x3FFD];
	_ =	sdelay $0x3  }
0x96: {  	_ =	strace s2  }
0x97: {  	_ =	strace $0x8FFFFFFF  }
0x98: {  	s18 =	sld [smem:$0x3FDB];
	_ =	sdelay $0x1  }
0x99: {  	s19 =	simm.s32 $_scs_section_size  }
0x9a: {  	s4 =	simm.s32 $_size__tile_overlayer_lowered;
	s5 =	simm.s32 $_tile_overlayer_lowered  }
0x9b: {  	s22 =	simm.s32 $0x1BFF;
	s21 =	sshll.u32 s5, $0x1;
	s2 =	sadd.s32 s19, s18  }
0x9c: {  	s6 =	simm.s32 $0x0;
	s20 =	sshll.u32 s4, $0x1;
	s4 =	sadd.s32 s21, s2  }
0x9d: {  	[timem:s6], [sflag:s22] =	dma.local [hbm:s4], s20  }
0x9e: {  	_ =	swait.ge [sflag:s22], s20  }
0x9f: {  	s3 =	ssub.s32 $0x0, s20;
	[sflag:s22] =	ssyncset.done $0x0  }
0xa0: {  	[sflag:s22] =	ssyncadd.s32 s3;
	_ =	sdelay $0x1  }
0xa1: {  	s23 =	simm.s32 $0x1B8B  }
0xa2: {  	_ =	swait.ge [sflag:s23], $0x1  }
0xa3: {  	[sflag:s23] =	ssyncset.done $0x0  }
0xa4: {  	s25 =	simm.s32 $0x1B8E;
	s24 =	sld [smem:$0x3FFE];
	[sflag:s23] =	ssyncadd.s32 $0xFFFFFFFF  }
0xa5: {  	s26 =	simm.s32 $execute0_lowered;
	[smem:$0x3FD2] =	sst s25  }
0xa6: {  	s4 =	sshll.u32 s26, $0x1;
	_ =	strace $0x80000046;
	[dreg:$0x1] =	wrdreg $0xFFFFFFFF  }
0xa7: {  	s28 =	simm.s32 $_size_execute0_lowered;
	s2 =	sadd.s32 s2, s4;
	[dreg:$0x0] =	wrdreg $0x0  }
0xa8: {  	s4 =	sshll.u32 s28, $0x1;
	[dreg:$0x2] =	wrdreg s2  }
0xa9: {  	[dreg:$0x3] =	wrdreg s4  }
0xaa: {  	[dreg:$0x4] =	wrdreg $0xC0  }
0xab: {  	_ =	task [dreg:s6], $0x5FFFF  }
0xac: {  	[dreg:$0x1] =	wrdreg $0xFFFFFFFF  }
0xad: {  	[dreg:$0x0] =	wrdreg $0x60  }
0xae: {  	[dreg:$0x2] =	wrdreg s24  }
0xaf: {  	[dreg:$0x3] =	wrdreg $0xA  }
0xb0: {  	_ =	task.clear_ibuf [dreg:s6], $0x4FFFF;
	_ =	strace $0x90000046  }
0xb1: {  	s29 =	simm.s32 $0xA;
	_ =	strace $0x80000048  }
0xb2: {  	_ =	swait.ge [sflag:s29], $0x1  }
0xb3: {  	[sflag:s29] =	ssyncadd.s32 $0xFFFFFFFF  }
0xb4: {  	_ =	strace $0x90000048  }
0xb5: {  	_ =	sfence  }
0xb6: {  	s30 =	sld [smem:$0x0];
	_ =	sdelay $0x2  }
0xb7: {  	s31 =	sshll.u32 s1, $0xD;
	s1 =	sshrl.u32 s1, $0x2  }
0xb8: {  	s3 =	sand.u32 $0x4000, s31;
	s1 =	sadd.s32 s1, s30  }
0xb9: {  	s0 =	sor.u32 s3, s0;
	s1 =	sshll.u32 s1, $0x11  }
0xba: {  	s0 =	sor.u32 s1, s0  }
0xbb: {  	s0 =	sadd.s32 $0x8F2B, s0  }
0xbc: {  	[sflag:s0] =	ssyncadd.remote.s32 $0x1  }
0xbd: {  	_ =	sfence.sel $0xFFFF  }
0xbe: {  	[dreg:$0x0] =	wrdreg $0xFFFFFFFF;
	(pc) =	sbr.abs _section_cstart, $3  }
0xbf: {  	[dreg:$0x1] =	wrdreg $0xFFFFFFFF  }
0xc0: {  	_ =	task.clear_ibuf [dreg:s6], $0x2FFFF;
	_ =	strace $0x9FFFFFFF  }
0xc1: {  	(tm) =	ssettm $0x7FFFFFFF  }
tec
execute0_lowered:
.L_overlay_start_1:
0x0: {  	(tag) =	ssettag $0x1  }
0x1: {  	s1 =	srdreg.scid  }
0x2: {  	s0 =	stileid.u32;
	s11 =	sand.u32 $0x1, s1  }
0x3: {  	s31 =	sshll.u32 s0, $0xA;
	s2 =	sshll.u32 s11, $0x9  }
0x4: {  	s10 =	rddreg [dreg:$0x0];
	s12 =	sor.u32 s2, s31  }
0x5: {  	s1 =	rddreg [dreg:$0x1];
	s2 =	simm.s32 $0x0;
	s3 =	sshrl.u32 s12, $0x3  }
0x6: {  	[smem:$0x7FF] =	sst s2;
	s3 =	sadd.s32 s3, s10  }
0x7: {  	_ =	strace $0x80000047;
	s4 =	sadd.s32 $0x2E00, s3;
	s3 =	simm.s32 $0x3  }
0x8: {  	[tilespmem:s2], [sflag:$0x3] =	stream.linear.gather [hbm4b:s4+s2], $0x200, $0x38;
	[tilespmem:$0x10200] =	vst v63  }
0x9: {  	_ =	swait.ge [sflag:s3], $0x200  }
0xa: {  	s6 =	simm.s32 $0x100;
	[sflag:s3] =	ssyncset.done $0x0  }
0xb: {  	s7 =	simm.s32 $0x200;
	s5 =	sadd.s32 $0x3600, s10;
	[sflag:s3] =	ssyncadd.s32 $0xFFFFFE00  }
0xc: {  	[tilespmem:s7], [sflag:$0x1] =	stream.indirect.gather [hbm4b:s5+s6], $0x80, s2, s6, $0xb8;
	[tilespmem:$0x10200] =	vst v63  }
0xd: {  	s8 =	simm.s32 $0x8200;
	s9 =	simm.s32 $0x1  }
0xe: {  	[tilespmem:s8], [sflag:$0x2] =	stream.indirect.gather [hbm4b:s5+s6], $0x80, s6, s6, $0xb8;
	[tilespmem:$0x10200] =	vst v63  }
0xf: {  	s12 =	sshll.u32 s12, $0x4;
	_ =	swait.ge [sflag:s9], $0x8000  }
0x10: {  	s12 =	sadd.s32 s12, s10;
	[sflag:s9] =	ssyncset.done $0x0  }
0x11: {  	s13 =	ssub.s32 $0x2, s11;
	s10 =	sadd.s32 $0x7A4800, s12;
	[sflag:s9] =	ssyncadd.s32 $0xFFFF8000  }
0x12: {  	[hbm4b:s10+s2] =	stream.linear.scatter [tilespmem:s7], [sflag:$0x3], $0x8000, $0x38;
	[tilespmem:$0x10200] =	vst v63  }
0x13: {  	s14 =	sshrl.u32 s13, $0x1;
	_ =	swait.ge [sflag:s3], $0x8000  }
0x14: {  	s13 =	ssub.s32 s13, s14;
	[sflag:s3] =	ssyncset.done $0x0  }
0x15: {  	s11 =	simm.s32 $0x2;
	s13 =	smax.u32 s13, $0x1;
	[sflag:s3] =	ssyncadd.s32 $0xFFFF8000  }
0x16: {  	p0 =	sne.s32 s13, $0x1;
	_ =	swait.ge [sflag:s11], $0x8000  }
.Ltmp0:
0x17: {  	[sflag:s11] =	ssyncset.done $0x0;
	(pc) =	sbr.rel @!p0 .LBB2_2-.Ltmp0, $4  }
0x18: {  	s12 =	sadd.s32 $0x7A5800, s12;
	[sflag:s11] =	ssyncadd.s32 $0xFFFF8000  }
0x19: {  	[hbm4b:s12+s2] =	stream.linear.scatter [tilespmem:s8], [sflag:$0x3], $0x8000, $0x38;
	[tilespmem:$0x10200] =	vst v63  }
0x1a: {  	_ =	swait.ge [sflag:s3], $0x8000  }
0x1b: {  	s13 =	sadd.s32 $0xFFFFFFFF, s13;
	[sflag:s3] =	ssyncset.done $0x0  }
.LBB2_1:
0x1c: {  	p0 =	sne.s32 s13, $0x1;
	s13 =	sadd.s32 $0xFFFFFFFF, s13;
	[sflag:s3] =	ssyncadd.s32 $0xFFFF8000  }
0x1d: {  	[tilespmem:s2], [sflag:$0x3] =	stream.linear.gather [hbm4b:s4+s2], $0x200, $0x38;
	[tilespmem:$0x10200] =	vst v63  }
0x1e: {  	_ =	swait.ge [sflag:s3], $0x200  }
0x1f: {  	[sflag:s3] =	ssyncset.done $0x0  }
0x20: {  	[sflag:s3] =	ssyncadd.s32 $0xFFFFFE00  }
0x21: {  	[tilespmem:s7], [sflag:$0x1] =	stream.indirect.gather [hbm4b:s5+s6], $0x80, s2, s6, $0xb8;
	[tilespmem:$0x10200] =	vst v63  }
0x22: {  	_ = 	snop  }
0x23: {  	[tilespmem:s8], [sflag:$0x2] =	stream.indirect.gather [hbm4b:s5+s6], $0x80, s6, s6, $0xb8;
	[tilespmem:$0x10200] =	vst v63  }
0x24: {  	_ =	swait.ge [sflag:s9], $0x8000  }
0x25: {  	[sflag:s9] =	ssyncset.done $0x0  }
0x26: {  	[sflag:s9] =	ssyncadd.s32 $0xFFFF8000  }
0x27: {  	[hbm4b:s10+s2] =	stream.linear.scatter [tilespmem:s7], [sflag:$0x3], $0x8000, $0x38;
	[tilespmem:$0x10200] =	vst v63  }
0x28: {  	_ =	swait.ge [sflag:s3], $0x8000  }
0x29: {  	[sflag:s3] =	ssyncset.done $0x0  }
0x2a: {  	[sflag:s3] =	ssyncadd.s32 $0xFFFF8000  }
0x2b: {  	_ =	swait.ge [sflag:s11], $0x8000  }
.Ltmp1:
0x2c: {  	[sflag:s11] =	ssyncset.done $0x0;
	(pc) =	sbr.rel @p0 .LBB2_1-.Ltmp1, $4  }
0x2d: {  	[sflag:s11] =	ssyncadd.s32 $0xFFFF8000  }
0x2e: {  	[hbm4b:s12+s2] =	stream.linear.scatter [tilespmem:s8], [sflag:$0x3], $0x8000, $0x38;
	[tilespmem:$0x10200] =	vst v63  }
0x2f: {  	_ =	swait.ge [sflag:s3], $0x8000  }
0x30: {  	[sflag:s3] =	ssyncset.done $0x0  }
.LBB2_2:
0x31: {  	[sflag:s3] =	ssyncadd.s32 $0xFFFF8000  }
0x32: {  	_ =	sfence.sel $0x180000  }
0x33: {  	[bflag:$0x0] =	sbarrier.arrive $0xFFFF  }
0x34: {  	p0 =	sne.s32 s0, $0x0;
	_ =	strace $0x90000047  }
0x35: {  	s0 =	sadd.s32 @!p0 $0x100000, s1;
	[bflag:$0x2] =	sbarrier.arrive $0xFFFF  }
0x36: {  	[sflag:s0] =	ssyncadd.tile.s32 @!p0 $0x1;
	_ =	shalt  }
.Lfunc_end2:
_tile_overlayer_lowered:
.L_overlay_start_2:
0x37: {  	(tag) =	ssettag $0x2  }
0x38: {  	s0 =	rddreg [dreg:$0x0];
	s2 =	stileid.u32  }
0x39: {  	s1 =	rddreg [dreg:$0x1];
	p0 =	sne.s32 s2, $0x0  }
0x3a: {  	s3 =	rddreg [dreg:$0x2];
	[bflag:$0x3] =	sbarrier.arrive $0xFFFF;
	s2 =	simm.s32 @!p0 $0x1C03  }
0x3b: {  	[timem:s3], [sflag:s2] =	dma.local @!p0 [hbm:s0], s1  }
0x3c: {  	s0 =	simm.s32 @!p0 $0x3  }
0x3d: {  	_ =	swait.ge @!p0 [sflag:s0], s1  }
0x3e: {  	s1 =	ssub.s32 @!p0 $0x0, s1;
	[sflag:s0] =	ssyncset.done @!p0 $0x0  }
0x3f: {  	[sflag:s0] =	ssyncadd.s32 @!p0 s1  }
0x40: {  	[bflag:$0x3] =	sbarrier.arrive $0xFFFF  }
0x41: {  	_ =	shalt  }

// kernel: kernel.7.cloned.1.call-start
scs
__scs_entry_jumppad:
0x0: {  	(pc) =	sbr.rel $0x88, $3  }
0x1: {  	(tag) =	ssettag $0x0;
	lr =	simm.s32 $0x1  }
0x2: {  	[smem:$0x3F91] =	sst lr;
	_ =	strace $0xD0000000  }
0x3: {  	_ = 	snop  }
0x4: {  	_ = 	snop  }
0x5: {  	_ = 	snop  }
0x6: {  	_ = 	snop  }
0x7: {  	_ = 	snop  }
__scs_overlays_trampoline_lowered:
0x8: {  	[smem:$0x3FA0] =	sst s0  }
0x9: {  	[smem:$0x3FA1] =	sst s1  }
0xa: {  	[smem:$0x3FA2] =	sst s2  }
0xb: {  	[smem:$0x3FA3] =	sst s3  }
0xc: {  	[smem:$0x3FA4] =	sst s4  }
0xd: {  	[smem:$0x3FA5] =	sst s5  }
0xe: {  	[smem:$0x3FA6] =	sst s6  }
0xf: {  	[smem:$0x3FA7] =	sst s7  }
0x10: {  	[smem:$0x3FA8] =	sst s8  }
0x11: {  	[smem:$0x3FA9] =	sst s9;
	s0 =	simm.s32 @!p0 $0x0  }
0x12: {  	s1 =	sld [smem:$0x3F8F];
	s0 =	simm.s32 @p0 $0x1  }
0x13: {  	[smem:$0x3FAA] =	sst s0;
	s0 =	simm.s32 @!p1 $0x0  }
0x14: {  	s2 =	sld [smem:$0x3F8E];
	s0 =	simm.s32 @p1 $0x1  }
0x15: {  	[smem:$0x3FAB] =	sst s0;
	s0 =	simm.s32 @!p2 $0x0  }
0x16: {  	s3 =	sld [smem:$0x3FDB];
	s0 =	simm.s32 @p2 $0x1  }
0x17: {  	s4 =	simm.s32 $0x1BF5;
	[smem:$0x3FAD] =	sst s0  }
0x18: {  	s0 =	sld [smem:$0x3F90];
	_ =	swait.ge [sflag:s4], $0x0  }
0x19: {  	s7 =	sld [smem:$0x3F91]  }
0x1a: {  	s8 =	sadd.s32 $0xFFFFE003, lr  }
0x1b: {  	s9 =	sadd.s32 $0xFFFFFEF7, lr;
	s5 =	simm.s32 $0xFFFFFFFF;
	p2 =	slt.u32 s8, $0xFFFFF086  }
0x1c: {  	p1 =	slt.u32 s9, $0xF7A;
	s5 =	simm.s32 @!p2 $0x0  }
0x1d: {  	s5 =	simm.s32 @p1 $0x1;
	p0 =	seq.s32 s7, s2  }
0x1e: {  	s7 =	smul.u32 @!p0 $0xF7A, s2;
	p2 =	seq.s32 @!p0 s5, $0x0  }
0x1f: {  	s9 =	smul.u32 $0xF7A, s1;
	s8 =	simm.s32 @!p0 $0x1BF5;
	p2 =	por !p2, p0  }
0x20: {  	[sflag:s8] =	ssyncset.s32 @!p0 $0xFFFFF086;
	s6 =	sadd.s32 @!p0 s3, s7;
	s7 =	simm.s32 @!p0 $0x108  }
0x21: {  	s3 =	sadd.s32 s3, s9;
	s6 =	sadd.s32 @!p0 $0x88, s6;
	s7 =	simm.s32 @p2 $0x1082  }
0x22: {  	[simem:s7], [sflag:s8] =	dma.local @!p0 [hbm:s6], $0xF7A  }
0x23: {  	s9 =	sor.u32 $0xD0000000, s2;
	s6 =	simm.s32 $0x108;
	_ =	swait.ge @!p0 [sflag:s8], $0x0  }
0x24: {  	s3 =	sadd.s32 $0x88, s3;
	s6 =	simm.s32 @!p1 $0x1082;
	[sflag:s4] =	ssyncset.s32 $0xFFFFF086  }
0x25: {  	[simem:s6], [sflag:s4] =	dma.local [hbm:s3], $0xF7A  }
0x26: {  	[smem:$0x3F91] =	sst s1;
	(tag) =	ssettag s2;
	_ =	strace s9  }
0x27: {  	s1 =	sld [smem:$0x3FA1]  }
0x28: {  	s2 =	sld [smem:$0x3FA2]  }
0x29: {  	s4 =	sld [smem:$0x3FA4]  }
0x2a: {  	p0 =	seq.s32 s5, $0x0;
	s5 =	sld [smem:$0x3FA5]  }
0x2b: {  	s6 =	sld [smem:$0x3FA6]  }
0x2c: {  	s7 =	sld [smem:$0x3FA7]  }
0x2d: {  	s3 =	simm.s32 $0x108;
	s8 =	sld [smem:$0x3FA8]  }
0x2e: {  	s3 =	simm.s32 @!p0 $0x1082;
	s9 =	sld [smem:$0x3FA9]  }
0x2f: {  	lr =	sadd.s32 s0, s3;
	s0 =	sld [smem:$0x3FA0]  }
0x30: {  	s3 =	sld [smem:$0x3FA3]  }
0x31: {  	[smem:$0x3FAC] =	sst s10  }
0x32: {  	s10 =	sld [smem:$0x3FAA];
	_ =	sdelay $0x3  }
0x33: {  	p0 =	seq.s32 s10, $0x1;
	s10 =	sld [smem:$0x3FAC];
	_ =	sdelay $0x3  }
0x34: {  	[smem:$0x3FAC] =	sst s10  }
0x35: {  	s10 =	sld [smem:$0x3FAB];
	_ =	sdelay $0x3  }
0x36: {  	p1 =	seq.s32 s10, $0x1;
	s10 =	sld [smem:$0x3FAC];
	_ =	sdelay $0x3  }
0x37: {  	[smem:$0x3FAC] =	sst s10  }
0x38: {  	s10 =	sld [smem:$0x3FAD]  }
0x39: {  	_ = 	snop;
	(pc) =	sbr.ind lr, $3  }
0x3a: {  	_ = 	snop  }
0x3b: {  	_ = 	snop  }
0x3c: {  	p2 =	seq.s32 s10, $0x1;
	s10 =	sld [smem:$0x3FAC]  }
0x3d: {  	_ =	shalt  }
0x3e: {  	_ =	shalt  }
0x3f: {  	_ =	shalt  }
0x40: {  	_ =	shalt  }
0x41: {  	_ =	shalt  }
0x42: {  	_ =	shalt  }
0x43: {  	_ =	shalt  }
0x44: {  	_ =	shalt  }
0x45: {  	_ =	shalt  }
0x46: {  	_ =	shalt  }
0x47: {  	_ =	shalt  }
0x48: {  	_ =	shalt  }
0x49: {  	_ =	shalt  }
0x4a: {  	_ =	shalt  }
0x4b: {  	_ =	shalt  }
0x4c: {  	_ =	shalt  }
0x4d: {  	_ =	shalt  }
0x4e: {  	_ =	shalt  }
0x4f: {  	_ =	shalt  }
0x50: {  	_ =	shalt  }
0x51: {  	_ =	shalt  }
0x52: {  	_ =	shalt  }
0x53: {  	_ =	shalt  }
0x54: {  	_ =	shalt  }
0x55: {  	_ =	shalt  }
0x56: {  	_ =	shalt  }
0x57: {  	_ =	shalt  }
0x58: {  	_ =	shalt  }
0x59: {  	_ =	shalt  }
0x5a: {  	_ =	shalt  }
0x5b: {  	_ =	shalt  }
0x5c: {  	_ =	shalt  }
0x5d: {  	_ =	shalt  }
0x5e: {  	_ =	shalt  }
0x5f: {  	_ =	shalt  }
0x60: {  	_ =	shalt  }
0x61: {  	_ =	shalt  }
0x62: {  	_ =	shalt  }
0x63: {  	_ =	shalt  }
0x64: {  	_ =	shalt  }
0x65: {  	_ =	shalt  }
0x66: {  	_ =	shalt  }
0x67: {  	_ =	shalt  }
0x68: {  	_ =	shalt  }
0x69: {  	_ =	shalt  }
0x6a: {  	_ =	shalt  }
0x6b: {  	_ =	shalt  }
0x6c: {  	_ =	shalt  }
0x6d: {  	_ =	shalt  }
0x6e: {  	_ =	shalt  }
0x6f: {  	_ =	shalt  }
0x70: {  	_ =	shalt  }
0x71: {  	_ =	shalt  }
0x72: {  	_ =	shalt  }
0x73: {  	_ =	shalt  }
0x74: {  	_ =	shalt  }
0x75: {  	_ =	shalt  }
0x76: {  	_ =	shalt  }
0x77: {  	_ =	shalt  }
0x78: {  	_ =	shalt  }
0x79: {  	_ =	shalt  }
0x7a: {  	_ =	shalt  }
0x7b: {  	_ =	shalt  }
0x7c: {  	_ =	shalt  }
0x7d: {  	_ =	shalt  }
0x7e: {  	_ =	shalt  }
0x7f: {  	_ =	shalt  }
0x80: {  	_ =	shalt  }
0x81: {  	_ =	shalt  }
0x82: {  	_ =	shalt  }
0x83: {  	_ =	shalt  }
0x84: {  	_ =	shalt  }
0x85: {  	_ =	shalt  }
0x86: {  	_ =	shalt  }
0x87: {  	_ =	shalt  }
.Lfunc_end0:
.L_simem_size_0:
called_computation_lowered:
.L_overlay_start_0:
0x88: {  	s2 =	sld [smem:$0x3FD9]  }
0x89: {  	s3 =	sld [smem:$0x3FFE];
	_ =	sdelay $0x1  }
0x8a: {  	s1 =	srdreg.scid  }
0x8b: {  	s0 =	sand.u32 $0x1, s1  }
0x8c: {  	s17 =	sshll.u32 s0, $0xA;
	s2 =	sadd.s32 s3, s2  }
0x8d: {  	s2 =	sadd.s32 s2, s17  }
0x8e: {  	[smem:$0x3FB8] =	sst s2  }
0x8f: {  	_ = 	snop  }
0x90: {  	(tm) =	ssettm $0x1  }
0x91: {  	s18 =	sld [smem:$0x3FFB];
	_ =	sdelay $0x3  }
0x92: {  	_ =	strace s18  }
0x93: {  	s2 =	sld [smem:$0x3FFC];
	_ =	sdelay $0x3  }
0x94: {  	_ =	strace s2  }
0x95: {  	s2 =	sld [smem:$0x3FFD];
	_ =	sdelay $0x3  }
0x96: {  	_ =	strace s2  }
0x97: {  	_ =	strace $0x8FFFFFFF  }
0x98: {  	s19 =	sld [smem:$0x3FDB];
	_ =	sdelay $0x1  }
0x99: {  	s20 =	simm.s32 $_scs_section_size  }
0x9a: {  	s4 =	simm.s32 $_size__tile_overlayer_lowered;
	s5 =	simm.s32 $_tile_overlayer_lowered  }
0x9b: {  	s6 =	simm.s32 $0x1BFF;
	s21 =	sshll.u32 s5, $0x1;
	s3 =	sadd.s32 s20, s19  }
0x9c: {  	s22 =	simm.s32 $0x0;
	s4 =	sshll.u32 s4, $0x1;
	s5 =	sadd.s32 s21, s3  }
0x9d: {  	[timem:s22], [sflag:s6] =	dma.local [hbm:s5], s4  }
0x9e: {  	_ =	swait.ge [sflag:s6], s4  }
0x9f: {  	s4 =	ssub.s32 $0x0, s4;
	[sflag:s6] =	ssyncset.done $0x0  }
0xa0: {  	[sflag:s6] =	ssyncadd.s32 s4;
	_ =	sdelay $0x1  }
0xa1: {  	s23 =	simm.s32 $0x1B8B  }
0xa2: {  	_ =	swait.ge [sflag:s23], $0x1  }
0xa3: {  	[sflag:s23] =	ssyncset.done $0x0  }
0xa4: {  	[sflag:s23] =	ssyncadd.s32 $0xFFFFFFFF  }
0xa5: {  	s4 =	sld [smem:$0x0]  }
0xa6: {  	s5 =	sand.u32 $0xFFFFFFFE, s1  }
0xa7: {  	p0 =	sne.s32 s1, s5  }
0xa8: {  	s5 =	sshll.u32 @p0 s5, $0xE  }
0xa9: {  	s5 =	sadd.s32 @p0 $0x11B8D, s5;
	s6 =	sshll.u32 @p0 s4, $0x11  }
0xaa: {  	s5 =	sor.u32 @p0 s6, s5  }
0xab: {  	[sflag:s5] =	ssyncadd.remote.s32 @p0 $0x1;
	_ =	sdelay $0x1  }
0xac: {  	s5 =	simm.s32 @p0 $0x1B8D  }
0xad: {  	_ =	swait.eq @p0 [sflag:s5], $0x1  }
0xae: {  	[sflag:s5] =	ssyncadd.s32 @p0 $0xFFFFFFFF  }
0xaf: {  	s6 =	sshll.u32 @!p0 s1, $0xE  }
0xb0: {  	s6 =	sor.u32 @!p0 $0x4000, s6;
	s5 =	simm.s32 @!p0 $0x1B8D  }
0xb1: {  	s4 =	sshll.u32 @!p0 s4, $0x11;
	s6 =	sadd.s32 @!p0 $0x11B8D, s6;
	_ =	swait.eq @!p0 [sflag:s5], $0x1  }
0xb2: {  	s4 =	sor.u32 @!p0 s4, s6;
	[sflag:s5] =	ssyncadd.s32 @!p0 $0xFFFFFFFF  }
0xb3: {  	s25 =	simm.s32 $0x1B8E;
	s24 =	sld [smem:$0x3FFE];
	[sflag:s4] =	ssyncadd.remote.s32 @!p0 $0x1  }
0xb4: {  	s26 =	simm.s32 $execute0_lowered;
	[smem:$0x3FD2] =	sst s25  }
0xb5: {  	s5 =	sshll.u32 s26, $0x1;
	_ =	strace $0x80000049;
	[dreg:$0x1] =	wrdreg $0xFFFFFFFF  }
0xb6: {  	s28 =	simm.s32 $_size_execute0_lowered;
	s3 =	sadd.s32 s3, s5;
	[dreg:$0x0] =	wrdreg $0x0  }
0xb7: {  	s5 =	sshll.u32 s28, $0x1;
	[dreg:$0x2] =	wrdreg s3  }
0xb8: {  	[dreg:$0x3] =	wrdreg s5  }
0xb9: {  	[dreg:$0x4] =	wrdreg $0xC0  }
0xba: {  	_ =	task [dreg:s22], $0x5FFFF  }
0xbb: {  	[dreg:$0x1] =	wrdreg $0xFFFFFFFF  }
0xbc: {  	[dreg:$0x0] =	wrdreg $0x60  }
0xbd: {  	[dreg:$0x2] =	wrdreg s24  }
0xbe: {  	[dreg:$0x3] =	wrdreg $0x9  }
0xbf: {  	_ =	task.clear_ibuf [dreg:s22], $0x4FFFF;
	_ =	strace $0x90000049  }
0xc0: {  	s29 =	simm.s32 $0x9;
	_ =	strace $0x8000004B  }
0xc1: {  	_ =	swait.ge [sflag:s29], $0x1  }
0xc2: {  	[sflag:s29] =	ssyncadd.s32 $0xFFFFFFFF  }
0xc3: {  	_ =	strace $0x9000004B  }
0xc4: {  	_ =	sfence  }
0xc5: {  	s30 =	sld [smem:$0x0];
	_ =	sdelay $0x2  }
0xc6: {  	s31 =	sshll.u32 s1, $0xD;
	s1 =	sshrl.u32 s1, $0x2  }
0xc7: {  	s4 =	sand.u32 $0x4000, s31;
	s1 =	sadd.s32 s1, s30  }
0xc8: {  	s0 =	sor.u32 s4, s0;
	s1 =	sshll.u32 s1, $0x11  }
0xc9: {  	s0 =	sor.u32 s1, s0  }
0xca: {  	s0 =	sadd.s32 $0x8F2B, s0  }
0xcb: {  	[sflag:s0] =	ssyncadd.remote.s32 $0x1  }
0xcc: {  	_ =	sfence.sel $0xFFFF  }
0xcd: {  	[dreg:$0x0] =	wrdreg $0xFFFFFFFF;
	(pc) =	sbr.abs _section_cstart, $3  }
0xce: {  	[dreg:$0x1] =	wrdreg $0xFFFFFFFF  }
0xcf: {  	_ =	task.clear_ibuf [dreg:s22], $0x2FFFF;
	_ =	strace $0x9FFFFFFF  }
0xd0: {  	(tm) =	ssettm $0x7FFFFFFF  }
0xd1: {  	_ =	shalt  }
tec
execute0_lowered:
.L_overlay_start_1:
0x0: {  	(tag) =	ssettag $0x1  }
0x1: {  	s1 =	srdreg.scid  }
0x2: {  	s0 =	stileid.u32;
	s11 =	sand.u32 $0x1, s1  }
0x3: {  	s31 =	sshll.u32 s0, $0xA;
	s2 =	sshll.u32 s11, $0x9  }
0x4: {  	s10 =	rddreg [dreg:$0x0];
	s12 =	sor.u32 s2, s31  }
0x5: {  	s1 =	rddreg [dreg:$0x1];
	s2 =	simm.s32 $0x0;
	s3 =	sshrl.u32 s12, $0x3  }
0x6: {  	[smem:$0x7FF] =	sst s2;
	s3 =	sadd.s32 s3, s10  }
0x7: {  	_ =	strace $0x8000004A;
	s4 =	sadd.s32 $0xF85A00, s3;
	s3 =	simm.s32 $0x3  }
0x8: {  	[tilespmem:s2], [sflag:$0x3] =	stream.linear.gather [hbm4b:s4+s2], $0x200, $0x38;
	[tilespmem:$0x10200] =	vst v63  }
0x9: {  	_ =	swait.ge [sflag:s3], $0x200  }
0xa: {  	s6 =	simm.s32 $0x100;
	[sflag:s3] =	ssyncset.done $0x0  }
0xb: {  	s7 =	simm.s32 $0x200;
	s5 =	sadd.s32 $0x7E4800, s10;
	[sflag:s3] =	ssyncadd.s32 $0xFFFFFE00  }
0xc: {  	[tilespmem:s7], [sflag:$0x1] =	stream.indirect.gather [hbm4b:s5+s6], $0x80, s2, s6, $0xb8;
	[tilespmem:$0x10200] =	vst v63  }
0xd: {  	s8 =	simm.s32 $0x8200;
	s9 =	simm.s32 $0x1  }
0xe: {  	[tilespmem:s8], [sflag:$0x2] =	stream.indirect.gather [hbm4b:s5+s6], $0x80, s6, s6, $0xb8;
	[tilespmem:$0x10200] =	vst v63  }
0xf: {  	s12 =	sshll.u32 s12, $0x4;
	_ =	swait.ge [sflag:s9], $0x8000  }
0x10: {  	s12 =	sadd.s32 s12, s10;
	[sflag:s9] =	ssyncset.done $0x0  }
0x11: {  	s13 =	ssub.s32 $0x2, s11;
	s10 =	sadd.s32 $0xF86200, s12;
	[sflag:s9] =	ssyncadd.s32 $0xFFFF8000  }
0x12: {  	[hbm4b:s10+s2] =	stream.linear.scatter [tilespmem:s7], [sflag:$0x3], $0x8000, $0x38;
	[tilespmem:$0x10200] =	vst v63  }
0x13: {  	s14 =	sshrl.u32 s13, $0x1;
	_ =	swait.ge [sflag:s3], $0x8000  }
0x14: {  	s13 =	ssub.s32 s13, s14;
	[sflag:s3] =	ssyncset.done $0x0  }
0x15: {  	s11 =	simm.s32 $0x2;
	s13 =	smax.u32 s13, $0x1;
	[sflag:s3] =	ssyncadd.s32 $0xFFFF8000  }
0x16: {  	p0 =	sne.s32 s13, $0x1;
	_ =	swait.ge [sflag:s11], $0x8000  }
.Ltmp0:
0x17: {  	[sflag:s11] =	ssyncset.done $0x0;
	(pc) =	sbr.rel @!p0 .LBB2_2-.Ltmp0, $4  }
0x18: {  	s12 =	sadd.s32 $0xF87200, s12;
	[sflag:s11] =	ssyncadd.s32 $0xFFFF8000  }
0x19: {  	[hbm4b:s12+s2] =	stream.linear.scatter [tilespmem:s8], [sflag:$0x3], $0x8000, $0x38;
	[tilespmem:$0x10200] =	vst v63  }
0x1a: {  	_ =	swait.ge [sflag:s3], $0x8000  }
0x1b: {  	s13 =	sadd.s32 $0xFFFFFFFF, s13;
	[sflag:s3] =	ssyncset.done $0x0  }
.LBB2_1:
0x1c: {  	p0 =	sne.s32 s13, $0x1;
	s13 =	sadd.s32 $0xFFFFFFFF, s13;
	[sflag:s3] =	ssyncadd.s32 $0xFFFF8000  }
0x1d: {  	[tilespmem:s2], [sflag:$0x3] =	stream.linear.gather [hbm4b:s4+s2], $0x200, $0x38;
	[tilespmem:$0x10200] =	vst v63  }
0x1e: {  	_ =	swait.ge [sflag:s3], $0x200  }
0x1f: {  	[sflag:s3] =	ssyncset.done $0x0  }
0x20: {  	[sflag:s3] =	ssyncadd.s32 $0xFFFFFE00  }
0x21: {  	[tilespmem:s7], [sflag:$0x1] =	stream.indirect.gather [hbm4b:s5+s6], $0x80, s2, s6, $0xb8;
	[tilespmem:$0x10200] =	vst v63  }
0x22: {  	_ = 	snop  }
0x23: {  	[tilespmem:s8], [sflag:$0x2] =	stream.indirect.gather [hbm4b:s5+s6], $0x80, s6, s6, $0xb8;
	[tilespmem:$0x10200] =	vst v63  }
0x24: {  	_ =	swait.ge [sflag:s9], $0x8000  }
0x25: {  	[sflag:s9] =	ssyncset.done $0x0  }
0x26: {  	[sflag:s9] =	ssyncadd.s32 $0xFFFF8000  }
0x27: {  	[hbm4b:s10+s2] =	stream.linear.scatter [tilespmem:s7], [sflag:$0x3], $0x8000, $0x38;
	[tilespmem:$0x10200] =	vst v63  }
0x28: {  	_ =	swait.ge [sflag:s3], $0x8000  }
0x29: {  	[sflag:s3] =	ssyncset.done $0x0  }
0x2a: {  	[sflag:s3] =	ssyncadd.s32 $0xFFFF8000  }
0x2b: {  	_ =	swait.ge [sflag:s11], $0x8000  }
.Ltmp1:
0x2c: {  	[sflag:s11] =	ssyncset.done $0x0;
	(pc) =	sbr.rel @p0 .LBB2_1-.Ltmp1, $4  }
0x2d: {  	[sflag:s11] =	ssyncadd.s32 $0xFFFF8000  }
0x2e: {  	[hbm4b:s12+s2] =	stream.linear.scatter [tilespmem:s8], [sflag:$0x3], $0x8000, $0x38;
	[tilespmem:$0x10200] =	vst v63  }
0x2f: {  	_ =	swait.ge [sflag:s3], $0x8000  }
0x30: {  	[sflag:s3] =	ssyncset.done $0x0  }
.LBB2_2:
0x31: {  	[sflag:s3] =	ssyncadd.s32 $0xFFFF8000  }
0x32: {  	_ =	sfence.sel $0x180000  }
0x33: {  	[bflag:$0x0] =	sbarrier.arrive $0xFFFF  }
0x34: {  	p0 =	sne.s32 s0, $0x0;
	_ =	strace $0x9000004A  }
0x35: {  	s0 =	sadd.s32 @!p0 $0x100000, s1;
	[bflag:$0x2] =	sbarrier.arrive $0xFFFF  }
0x36: {  	[sflag:s0] =	ssyncadd.tile.s32 @!p0 $0x1;
	_ =	shalt  }
.Lfunc_end2:
_tile_overlayer_lowered:
.L_overlay_start_2:
0x37: {  	(tag) =	ssettag $0x2  }
0x38: {  	s0 =	rddreg [dreg:$0x0];
	s2 =	stileid.u32  }
0x39: {  	s1 =	rddreg [dreg:$0x1];
	p0 =	sne.s32 s2, $0x0  }
0x3a: {  	s3 =	rddreg [dreg:$0x2];
	[bflag:$0x3] =	sbarrier.arrive $0xFFFF;
	s2 =	simm.s32 @!p0 $0x1C03  }
0x3b: {  	[timem:s3], [sflag:s2] =	dma.local @!p0 [hbm:s0], s1  }
0x3c: {  	s0 =	simm.s32 @!p0 $0x3  }
0x3d: {  	_ =	swait.ge @!p0 [sflag:s0], s1  }
0x3e: {  	s1 =	ssub.s32 @!p0 $0x0, s1;
	[sflag:s0] =	ssyncset.done @!p0 $0x0  }
0x3f: {  	[sflag:s0] =	ssyncadd.s32 @!p0 s1  }
0x40: {  	[bflag:$0x3] =	sbarrier.arrive $0xFFFF  }
0x41: {  	_ =	shalt  }

</sc_bundles>
